<compile_context>
chip_gen: v7x
topology: tpu7x:2x2x1
jax: 0.10.2.dev20260603
libtpu: 0.0.44.dev20260713+nightly
codegen_flags: <defaults>
</compile_context>

<pallas_src>
import functools

import jax
import jax.numpy as jnp
from jax import lax
from jax.experimental import pallas as pl
from jax.experimental.pallas import tpu as pltpu
from jax.experimental.pallas import tpu_sc as plsc

_NC = 2
_NS = 16
_L = 16
_C = 10000
_NBUF = 2
_U = 25


@functools.lru_cache(maxsize=None)
def _make_segsum(E_pad: int, N: int, DE: int):
    assert DE == _NS, "one feature column per subcore"
    e_half = E_pad // _NC
    n_chunks = e_half // _C
    n_groups = _C // _L
    assert n_chunks % _NBUF == 0 and n_groups % _U == 0
    mesh = plsc.VectorSubcoreMesh(
        core_axis_name="c", subcore_axis_name="s",
        num_cores=_NC, num_subcores=_NS)

    @functools.partial(
        pl.kernel,
        out_type=jax.ShapeDtypeStruct((_NC * DE * N,), jnp.float32),
        mesh=mesh,
        compiler_params=pltpu.CompilerParams(needs_layout_passes=False),
        scratch_types=[
            pltpu.VMEM((_C,), jnp.float32),
            pltpu.VMEM((_C,), jnp.float32),
            pltpu.VMEM((_C,), jnp.int32),
            pltpu.VMEM((_C,), jnp.int32),
            pltpu.VMEM((N,), jnp.float32),
            pltpu.SemaphoreType.DMA((_NBUF,)),
            pltpu.SemaphoreType.DMA((_NBUF,)),
        ],
    )
    def segsum(vals_hbm, idx_hbm, out_hbm, vals_v0, vals_v1, idx_v0, idx_v1,
               acc, vsem, isem):
        vals_bufs = (vals_v0, vals_v1)
        idx_bufs = (idx_v0, idx_v1)
        c = lax.axis_index("c")
        s = lax.axis_index("s")

        def zbody(i, carry):
            acc[pl.ds(i * _L, _L)] = jnp.zeros((_L,), jnp.float32)
            return carry

        lax.fori_loop(0, N // _L, zbody, 0)

        vbase = s * E_pad + c * e_half
        ibase = c * e_half

        def fetch(t, b):
            pltpu.async_copy(vals_hbm.at[pl.ds(vbase + t * _C, _C)],
                             vals_bufs[b], vsem.at[b])
            pltpu.async_copy(idx_hbm.at[pl.ds(ibase + t * _C, _C)],
                             idx_bufs[b], isem.at[b])

        for b in range(_NBUF):
            fetch(b, b)

        def outer(tt, carry):
            for b in range(_NBUF):
                t = tt * _NBUF + b
                pltpu.make_async_copy(vals_hbm.at[pl.ds(vbase, _C)],
                                      vals_bufs[b], vsem.at[b]).wait()
                pltpu.make_async_copy(idx_hbm.at[pl.ds(ibase, _C)],
                                      idx_bufs[b], isem.at[b]).wait()

                @plsc.parallel_loop(0, n_groups, unroll=_U)
                def gbody(g):
                    off = g * _L
                    iv = idx_bufs[b][pl.ds(off, _L)]
                    vv = vals_bufs[b][pl.ds(off, _L)]
                    plsc.addupdate_scatter(acc, [iv], vv)

                @pl.when(t + _NBUF < n_chunks)
                def _():
                    fetch(t + _NBUF, b)
            return carry

        lax.fori_loop(0, n_chunks // _NBUF, outer, 0)
        pltpu.sync_copy(acc, out_hbm.at[pl.ds((c * DE + s) * N, N)])

    return segsum


@functools.lru_cache(maxsize=None)
def _make_mlp(N: int, DF: int, DE: int, H: int, BN: int):
    def body(x_r, p_r, w1x_r, w1e_r, b1_r, w2_r, b2_r, o_r):
        p = p_r[...]
        aggT = p[:DE] + p[DE:]
        h = jnp.dot(x_r[...], w1x_r[...], preferred_element_type=jnp.float32)
        h += jax.lax.dot_general(aggT, w1e_r[...],
                                 (((0,), (0,)), ((), ())),
                                 preferred_element_type=jnp.float32)
        h = jnp.maximum(h + b1_r[...], 0.0)
        o_r[...] = jnp.dot(h, w2_r[...],
                           preferred_element_type=jnp.float32) + b2_r[...]

    return pl.pallas_call(
        body,
        grid=(pl.cdiv(N, BN),),
        in_specs=[
            pl.BlockSpec((BN, DF), lambda i: (i, 0)),
            pl.BlockSpec((_NC * DE, BN), lambda i: (0, i)),
            pl.BlockSpec((DF, H), lambda i: (0, 0)),
            pl.BlockSpec((DE, H), lambda i: (0, 0)),
            pl.BlockSpec((1, H), lambda i: (0, 0)),
            pl.BlockSpec((H, H), lambda i: (0, 0)),
            pl.BlockSpec((1, H), lambda i: (0, 0)),
        ],
        out_specs=pl.BlockSpec((BN, H), lambda i: (i, 0)),
        out_shape=jax.ShapeDtypeStruct((N, H), jnp.float32),
    )


def kernel(x, edge_attr, edge_index, W1, b1, W2, b2):
    N, DF = x.shape
    E, DE = edge_attr.shape
    H = W2.shape[1]
    recv = edge_index[1]

    chunk = _NC * _C * _NBUF
    E_pad = ((E + chunk - 1) // chunk) * chunk
    if E_pad != E:
        pad = E_pad - E
        edge_in = jnp.concatenate(
            [edge_attr, jnp.zeros((pad, DE), jnp.float32)], axis=0)
        recv = jnp.concatenate([recv, jnp.zeros((pad,), jnp.int32)], axis=0)
    else:
        edge_in = edge_attr
    vals_flat = edge_in.T.reshape(-1)

    parts = _make_segsum(E_pad, N, DE)(vals_flat, recv)
    parts2 = parts.reshape(_NC * DE, N)

    BN = 1024
    out = _make_mlp(N, DF, DE, H, BN)(
        x, parts2, W1[:DF], W1[DF:], b1.reshape(1, H), W2, b2.reshape(1, H))
    return (out, edge_attr, edge_index)

# --- scband reference (transcript-rebuilt; emitter-appended) ---
"""Pipeline reference for scband-node-block-48034914239038 (READ-ONLY COPY).

The authoritative reference and input builder live on the scoring server;
editing this copy changes nothing except your own understanding.
"""

import jax, jax.numpy as jnp
import numpy as np

N = 10000      # num nodes
E = 320000     # num edges
DF = 128       # node feature dim
DE = 16        # edge feature dim
H = 128        # hidden / output dim of node MLP


def setup_inputs(seed: int = 0) -> dict:
    key = jax.random.key(seed)
    ks = jax.random.split(key, 8)
    x = jax.random.normal(ks[0], (N, DF), dtype=jnp.float32)
    edge_attr = jax.random.normal(ks[1], (E, DE), dtype=jnp.float32)
    edge_index = jax.random.randint(ks[2], (2, E), 0, N).astype(jnp.int32)
    # node MLP params: Linear(DF+DE -> H), ReLU, Linear(H -> H)
    W1 = jax.random.normal(ks[3], (DF + DE, H), dtype=jnp.float32) * 0.05
    b1 = jnp.zeros((H,), dtype=jnp.float32)
    W2 = jax.random.normal(ks[4], (H, H), dtype=jnp.float32) * 0.05
    b2 = jnp.zeros((H,), dtype=jnp.float32)
    return {"x": x, "edge_attr": edge_attr, "edge_index": edge_index,
            "W1": W1, "b1": b1, "W2": W2, "b2": b2}


def reference(x, edge_attr, edge_index, W1, b1, W2, b2):
    # NodeBlock.forward: scatter-sum incoming edge features to receiver nodes,
    # concat with node features, pass through node MLP.
    receivers_idx = edge_index[1]
    agg_received_edges = jax.ops.segment_sum(edge_attr, receivers_idx, num_segments=N)
    collected_nodes = jnp.concatenate([x, agg_received_edges], axis=-1)
    h = jnp.maximum(collected_nodes @ W1 + b1, 0.0)
    x_out = h @ W2 + b2
    # Data(x=x_out, edge_attr=edge_attr, edge_index=edge_index)
    return (x_out, edge_attr, edge_index)

if __name__ == "__main__":
    import jax
    _d = setup_inputs()
    print(jax.jit(kernel)(*tuple(_d.values())))

</pallas_src>

<mosaic_0001>
#map = affine_map<(d0, d1) -> (0)>
module attributes {stable_mosaic.version = 14 : i64} {
  func.func @segsum(%arg0: i32, %arg1: i32, %arg2: memref<5120000xf32, #tpu.memory_space<hbm>>, %arg3: memref<320000xi32, #tpu.memory_space<hbm>>, %arg4: memref<320000xf32, #tpu.memory_space<hbm>>, %arg5: memref<10000xf32, #tpu.memory_space<vmem>>, %arg6: memref<10000xf32, #tpu.memory_space<vmem>>, %arg7: memref<10000xi32, #tpu.memory_space<vmem>>, %arg8: memref<10000xi32, #tpu.memory_space<vmem>>, %arg9: memref<10000xf32, #tpu.memory_space<vmem>>, %arg10: memref<2x!tpu.dma_semaphore, #tpu.memory_space<semaphore_mem>>, %arg11: memref<2x!tpu.dma_semaphore, #tpu.memory_space<semaphore_mem>>) attributes {dimension_semantics = [#tpu.dimension_semantics<core_parallel>, #tpu.dimension_semantics<subcore_parallel>], iteration_bounds = array<i64: 2, 16>, scalar_prefetch = 0 : i64, scratch_operands = 7 : i64, tpu.core_type = #tpu.core_type<sc_vector_subcore>, window_params = [{transform_indices = #map}, {transform_indices = #map}, {transform_indices = #map}]} {
    %scan3A = arith.constant 0 : i32
    %scan3A_0 = arith.constant 0 : i32
    %scan3A_1 = arith.constant 625 : i32
    %scan3A_2 = arith.addi %scan3A_0, %scan3A_1 : i32
    %scan3A_3 = arith.constant 1 : i32
    scf.for %scan3A_48 = %scan3A_0 to %scan3A_2 step %scan3A_3  : i32 {
      %broadcast_in_dim3A = arith.constant 0.000000e+00 : f32
      %broadcast_in_dim3A_49 = vector.broadcast %broadcast_in_dim3A : f32 to vector<16xf32>
      %mul3A_50 = arith.constant 16 : i32
      %mul3A_51 = arith.muli %scan3A_48, %mul3A_50 : i32
      %swap3A = arith.index_cast %mul3A_51 : i32 to index
      %swap3A_52 = tpu.vector_load %arg9[%swap3A] {strides = array<i32>} : memref<10000xf32, #tpu.memory_space<vmem>>, vector<16xf32>,
      tpu.vector_store %arg9[%swap3A], %broadcast_in_dim3A_49 {strides = array<i32>} : memref<10000xf32, #tpu.memory_space<vmem>>, vector<16xf32>,
    }
    %scan3A_4 = arith.constant 625 : i32
    %mul3A = arith.constant 320000 : i32
    %mul3A_5 = arith.muli %arg1, %mul3A : i32
    %mul3A_6 = arith.constant 160000 : i32
    %mul3A_7 = arith.muli %arg0, %mul3A_6 : i32
    %add3A = arith.addi %mul3A_5, %mul3A_7 : i32
    %mul3A_8 = arith.constant 160000 : i32
    %mul3A_9 = arith.muli %arg0, %mul3A_8 : i32
    %add3A_10 = arith.constant 0 : i32
    %add3A_11 = arith.addi %add3A, %add3A_10 : i32
    %dma_start3A = arith.constant 0 : i32
    %dma_start3A_12 = tpu.memref_slice %arg2[%add3A_11] : memref<5120000xf32, #tpu.memory_space<hbm>> -> memref<10000xf32, #tpu.memory_space<hbm>>
    %dma_start3A_13 = tpu.memref_slice %arg10[%dma_start3A] : memref<2x!tpu.dma_semaphore, #tpu.memory_space<semaphore_mem>> -> memref<1x!tpu.dma_semaphore, #tpu.memory_space<semaphore_mem>>
    %dma_start3A_14 = tpu.memref_squeeze %dma_start3A_13 : memref<1x!tpu.dma_semaphore, #tpu.memory_space<semaphore_mem>> -> memref<!tpu.dma_semaphore, #tpu.memory_space<semaphore_mem>>
    %dma_start3A_15 = tpu.memref_slice %arg2[%add3A_11] : memref<5120000xf32, #tpu.memory_space<hbm>> -> memref<10000xf32, #tpu.memory_space<hbm>>
    tpu.enqueue_dma source(%dma_start3A_15 : memref<10000xf32, #tpu.memory_space<hbm>>) target(%arg5 : memref<10000xf32, #tpu.memory_space<vmem>>) target_semaphore(%dma_start3A_14 : memref<!tpu.dma_semaphore, #tpu.memory_space<semaphore_mem>>)
    %add3A_16 = arith.constant 0 : i32
    %add3A_17 = arith.addi %mul3A_9, %add3A_16 : i32
    %dma_start3A_18 = arith.constant 0 : i32
    %dma_start3A_19 = tpu.memref_slice %arg3[%add3A_17] : memref<320000xi32, #tpu.memory_space<hbm>> -> memref<10000xi32, #tpu.memory_space<hbm>>
    %dma_start3A_20 = tpu.memref_slice %arg11[%dma_start3A_18] : memref<2x!tpu.dma_semaphore, #tpu.memory_space<semaphore_mem>> -> memref<1x!tpu.dma_semaphore, #tpu.memory_space<semaphore_mem>>
    %dma_start3A_21 = tpu.memref_squeeze %dma_start3A_20 : memref<1x!tpu.dma_semaphore, #tpu.memory_space<semaphore_mem>> -> memref<!tpu.dma_semaphore, #tpu.memory_space<semaphore_mem>>
    %dma_start3A_22 = tpu.memref_slice %arg3[%add3A_17] : memref<320000xi32, #tpu.memory_space<hbm>> -> memref<10000xi32, #tpu.memory_space<hbm>>
    tpu.enqueue_dma source(%dma_start3A_22 : memref<10000xi32, #tpu.memory_space<hbm>>) target(%arg7 : memref<10000xi32, #tpu.memory_space<vmem>>) target_semaphore(%dma_start3A_21 : memref<!tpu.dma_semaphore, #tpu.memory_space<semaphore_mem>>)
    %add3A_23 = arith.constant 10000 : i32
    %add3A_24 = arith.addi %add3A, %add3A_23 : i32
    %dma_start3A_25 = arith.constant 1 : i32
    %dma_start3A_26 = tpu.memref_slice %arg2[%add3A_24] : memref<5120000xf32, #tpu.memory_space<hbm>> -> memref<10000xf32, #tpu.memory_space<hbm>>
    %dma_start3A_27 = tpu.memref_slice %arg10[%dma_start3A_25] : memref<2x!tpu.dma_semaphore, #tpu.memory_space<semaphore_mem>> -> memref<1x!tpu.dma_semaphore, #tpu.memory_space<semaphore_mem>>
    %dma_start3A_28 = tpu.memref_squeeze %dma_start3A_27 : memref<1x!tpu.dma_semaphore, #tpu.memory_space<semaphore_mem>> -> memref<!tpu.dma_semaphore, #tpu.memory_space<semaphore_mem>>
    %dma_start3A_29 = tpu.memref_slice %arg2[%add3A_24] : memref<5120000xf32, #tpu.memory_space<hbm>> -> memref<10000xf32, #tpu.memory_space<hbm>>
    tpu.enqueue_dma source(%dma_start3A_29 : memref<10000xf32, #tpu.memory_space<hbm>>) target(%arg6 : memref<10000xf32, #tpu.memory_space<vmem>>) target_semaphore(%dma_start3A_28 : memref<!tpu.dma_semaphore, #tpu.memory_space<semaphore_mem>>)
    %add3A_30 = arith.constant 10000 : i32
    %add3A_31 = arith.addi %mul3A_9, %add3A_30 : i32
    %dma_start3A_32 = arith.constant 1 : i32
    %dma_start3A_33 = tpu.memref_slice %arg3[%add3A_31] : memref<320000xi32, #tpu.memory_space<hbm>> -> memref<10000xi32, #tpu.memory_space<hbm>>
    %dma_start3A_34 = tpu.memref_slice %arg11[%dma_start3A_32] : memref<2x!tpu.dma_semaphore, #tpu.memory_space<semaphore_mem>> -> memref<1x!tpu.dma_semaphore, #tpu.memory_space<semaphore_mem>>
    %dma_start3A_35 = tpu.memref_squeeze %dma_start3A_34 : memref<1x!tpu.dma_semaphore, #tpu.memory_space<semaphore_mem>> -> memref<!tpu.dma_semaphore, #tpu.memory_space<semaphore_mem>>
    %dma_start3A_36 = tpu.memref_slice %arg3[%add3A_31] : memref<320000xi32, #tpu.memory_space<hbm>> -> memref<10000xi32, #tpu.memory_space<hbm>>
    tpu.enqueue_dma source(%dma_start3A_36 : memref<10000xi32, #tpu.memory_space<hbm>>) target(%arg8 : memref<10000xi32, #tpu.memory_space<vmem>>) target_semaphore(%dma_start3A_35 : memref<!tpu.dma_semaphore, #tpu.memory_space<semaphore_mem>>)
    %scan3A_37 = arith.constant 0 : i32
    %scan3A_38 = arith.constant 0 : i32
    %scan3A_39 = arith.constant 8 : i32
    %scan3A_40 = arith.addi %scan3A_38, %scan3A_39 : i32
    %scan3A_41 = arith.constant 1 : i32
    scf.for %scan3A_48 = %scan3A_38 to %scan3A_40 step %scan3A_41  : i32 {
      %mul3A_49 = arith.constant 2 : i32
      %mul3A_50 = arith.muli %scan3A_48, %mul3A_49 : i32
      %add3A_51 = arith.constant 0 : i32
      %add3A_52 = arith.addi %mul3A_50, %add3A_51 : i32
      %dma_wait3A = arith.constant 0 : i32
      %dma_wait3A_53 = tpu.memref_slice %arg2[%add3A] : memref<5120000xf32, #tpu.memory_space<hbm>> -> memref<10000xf32, #tpu.memory_space<hbm>>
      %dma_wait3A_54 = tpu.memref_slice %arg10[%dma_wait3A] : memref<2x!tpu.dma_semaphore, #tpu.memory_space<semaphore_mem>> -> memref<1x!tpu.dma_semaphore, #tpu.memory_space<semaphore_mem>>
      %dma_wait3A_55 = tpu.memref_squeeze %dma_wait3A_54 : memref<1x!tpu.dma_semaphore, #tpu.memory_space<semaphore_mem>> -> memref<!tpu.dma_semaphore, #tpu.memory_space<semaphore_mem>>
      %dma_wait3A_56 = tpu.memref_slice %arg2[%add3A] : memref<5120000xf32, #tpu.memory_space<hbm>> -> memref<10000xf32, #tpu.memory_space<hbm>>
      tpu.wait_dma2 semaphore(%dma_wait3A_55 : memref<!tpu.dma_semaphore, #tpu.memory_space<semaphore_mem>>) src(%dma_wait3A_56 : memref<10000xf32, #tpu.memory_space<hbm>>) dst(%arg5 : memref<10000xf32, #tpu.memory_space<vmem>>)
      %dma_wait3A_57 = arith.constant 0 : i32
      %dma_wait3A_58 = tpu.memref_slice %arg3[%mul3A_9] : memref<320000xi32, #tpu.memory_space<hbm>> -> memref<10000xi32, #tpu.memory_space<hbm>>
      %dma_wait3A_59 = tpu.memref_slice %arg11[%dma_wait3A_57] : memref<2x!tpu.dma_semaphore, #tpu.memory_space<semaphore_mem>> -> memref<1x!tpu.dma_semaphore, #tpu.memory_space<semaphore_mem>>
      %dma_wait3A_60 = tpu.memref_squeeze %dma_wait3A_59 : memref<1x!tpu.dma_semaphore, #tpu.memory_space<semaphore_mem>> -> memref<!tpu.dma_semaphore, #tpu.memory_space<semaphore_mem>>
      %dma_wait3A_61 = tpu.memref_slice %arg3[%mul3A_9] : memref<320000xi32, #tpu.memory_space<hbm>> -> memref<10000xi32, #tpu.memory_space<hbm>>
      tpu.wait_dma2 semaphore(%dma_wait3A_60 : memref<!tpu.dma_semaphore, #tpu.memory_space<semaphore_mem>>) src(%dma_wait3A_61 : memref<10000xi32, #tpu.memory_space<hbm>>) dst(%arg7 : memref<10000xi32, #tpu.memory_space<vmem>>)
      %parallel_loop3A = arith.constant 0 : i32
      %parallel_loop3A_62 = arith.constant 625 : i32
      %parallel_loop3A_63 = arith.constant 1 : i32
      scf.for %parallel_loop3A_92 = %parallel_loop3A to %parallel_loop3A_62 step %parallel_loop3A_63  : i32 {
        %parallel_loop3A_93 = arith.constant 16 : i32
        %parallel_loop3A_94 = arith.muli %parallel_loop3A_92, %parallel_loop3A_93 : i32
        %parallel_loop3A_95 = arith.index_cast %parallel_loop3A_94 : i32 to index
        %parallel_loop3A_96 = tpu.vector_load %arg7[%parallel_loop3A_95] {strides = array<i32>} : memref<10000xi32, #tpu.memory_space<vmem>>, vector<16xi32>,
        %parallel_loop3A_97 = arith.index_cast %parallel_loop3A_94 : i32 to index
        %parallel_loop3A_98 = tpu.vector_load %arg5[%parallel_loop3A_97] {strides = array<i32>} : memref<10000xf32, #tpu.memory_space<vmem>>, vector<16xf32>,
        tpu.vector_store_idx %arg9[%parallel_loop3A_96], %parallel_loop3A_98 {add = true} : memref<10000xf32, #tpu.memory_space<vmem>>[vector<16xi32>], vector<16xf32>,
      } {sc.loop_unroll_factor = 25 : i64, sc.parallel_access}
      %add3A_64 = arith.constant 2 : i32
      %add3A_65 = arith.addi %add3A_52, %add3A_64 : i32
      %lt3A = arith.constant 16 : i32
      %lt3A_66 = arith.cmpi slt, %add3A_65, %lt3A : i32
      %convert_element_type3A = arith.extui %lt3A_66 : i1 to i32
      %cond3A = arith.constant 0 : i32
      %cond3A_67 = arith.cmpi ne, %convert_element_type3A, %cond3A : i32
      scf.if %cond3A_67 {
        %add3A_92 = arith.constant 2 : i32
        %add3A_93 = arith.addi %add3A_52, %add3A_92 : i32
        %mul3A_94 = arith.constant 10000 : i32
        %mul3A_95 = arith.muli %add3A_93, %mul3A_94 : i32
        %add3A_96 = arith.addi %add3A, %mul3A_95 : i32
        %dma_start3A_97 = arith.constant 0 : i32
        %dma_start3A_98 = tpu.memref_slice %arg2[%add3A_96] : memref<5120000xf32, #tpu.memory_space<hbm>> -> memref<10000xf32, #tpu.memory_space<hbm>>
        %dma_start3A_99 = tpu.memref_slice %arg10[%dma_start3A_97] : memref<2x!tpu.dma_semaphore, #tpu.memory_space<semaphore_mem>> -> memref<1x!tpu.dma_semaphore, #tpu.memory_space<semaphore_mem>>
        %dma_start3A_100 = tpu.memref_squeeze %dma_start3A_99 : memref<1x!tpu.dma_semaphore, #tpu.memory_space<semaphore_mem>> -> memref<!tpu.dma_semaphore, #tpu.memory_space<semaphore_mem>>
        %dma_start3A_101 = tpu.memref_slice %arg2[%add3A_96] : memref<5120000xf32, #tpu.memory_space<hbm>> -> memref<10000xf32, #tpu.memory_space<hbm>>
        tpu.enqueue_dma source(%dma_start3A_101 : memref<10000xf32, #tpu.memory_space<hbm>>) target(%arg5 : memref<10000xf32, #tpu.memory_space<vmem>>) target_semaphore(%dma_start3A_100 : memref<!tpu.dma_semaphore, #tpu.memory_space<semaphore_mem>>)
        %mul3A_102 = arith.constant 10000 : i32
        %mul3A_103 = arith.muli %add3A_93, %mul3A_102 : i32
        %add3A_104 = arith.addi %mul3A_9, %mul3A_103 : i32
        %dma_start3A_105 = arith.constant 0 : i32
        %dma_start3A_106 = tpu.memref_slice %arg3[%add3A_104] : memref<320000xi32, #tpu.memory_space<hbm>> -> memref<10000xi32, #tpu.memory_space<hbm>>
        %dma_start3A_107 = tpu.memref_slice %arg11[%dma_start3A_105] : memref<2x!tpu.dma_semaphore, #tpu.memory_space<semaphore_mem>> -> memref<1x!tpu.dma_semaphore, #tpu.memory_space<semaphore_mem>>
        %dma_start3A_108 = tpu.memref_squeeze %dma_start3A_107 : memref<1x!tpu.dma_semaphore, #tpu.memory_space<semaphore_mem>> -> memref<!tpu.dma_semaphore, #tpu.memory_space<semaphore_mem>>
        %dma_start3A_109 = tpu.memref_slice %arg3[%add3A_104] : memref<320000xi32, #tpu.memory_space<hbm>> -> memref<10000xi32, #tpu.memory_space<hbm>>
        tpu.enqueue_dma source(%dma_start3A_109 : memref<10000xi32, #tpu.memory_space<hbm>>) target(%arg7 : memref<10000xi32, #tpu.memory_space<vmem>>) target_semaphore(%dma_start3A_108 : memref<!tpu.dma_semaphore, #tpu.memory_space<semaphore_mem>>)
      } else {
      }
      %mul3A_68 = arith.constant 2 : i32
      %mul3A_69 = arith.muli %scan3A_48, %mul3A_68 : i32
      %add3A_70 = arith.constant 1 : i32
      %add3A_71 = arith.addi %mul3A_69, %add3A_70 : i32
      %dma_wait3A_72 = arith.constant 1 : i32
      %dma_wait3A_73 = tpu.memref_slice %arg2[%add3A] : memref<5120000xf32, #tpu.memory_space<hbm>> -> memref<10000xf32, #tpu.memory_space<hbm>>
      %dma_wait3A_74 = tpu.memref_slice %arg10[%dma_wait3A_72] : memref<2x!tpu.dma_semaphore, #tpu.memory_space<semaphore_mem>> -> memref<1x!tpu.dma_semaphore, #tpu.memory_space<semaphore_mem>>
      %dma_wait3A_75 = tpu.memref_squeeze %dma_wait3A_74 : memref<1x!tpu.dma_semaphore, #tpu.memory_space<semaphore_mem>> -> memref<!tpu.dma_semaphore, #tpu.memory_space<semaphore_mem>>
      %dma_wait3A_76 = tpu.memref_slice %arg2[%add3A] : memref<5120000xf32, #tpu.memory_space<hbm>> -> memref<10000xf32, #tpu.memory_space<hbm>>
      tpu.wait_dma2 semaphore(%dma_wait3A_75 : memref<!tpu.dma_semaphore, #tpu.memory_space<semaphore_mem>>) src(%dma_wait3A_76 : memref<10000xf32, #tpu.memory_space<hbm>>) dst(%arg6 : memref<10000xf32, #tpu.memory_space<vmem>>)
      %dma_wait3A_77 = arith.constant 1 : i32
      %dma_wait3A_78 = tpu.memref_slice %arg3[%mul3A_9] : memref<320000xi32, #tpu.memory_space<hbm>> -> memref<10000xi32, #tpu.memory_space<hbm>>
      %dma_wait3A_79 = tpu.memref_slice %arg11[%dma_wait3A_77] : memref<2x!tpu.dma_semaphore, #tpu.memory_space<semaphore_mem>> -> memref<1x!tpu.dma_semaphore, #tpu.memory_space<semaphore_mem>>
      %dma_wait3A_80 = tpu.memref_squeeze %dma_wait3A_79 : memref<1x!tpu.dma_semaphore, #tpu.memory_space<semaphore_mem>> -> memref<!tpu.dma_semaphore, #tpu.memory_space<semaphore_mem>>
      %dma_wait3A_81 = tpu.memref_slice %arg3[%mul3A_9] : memref<320000xi32, #tpu.memory_space<hbm>> -> memref<10000xi32, #tpu.memory_space<hbm>>
      tpu.wait_dma2 semaphore(%dma_wait3A_80 : memref<!tpu.dma_semaphore, #tpu.memory_space<semaphore_mem>>) src(%dma_wait3A_81 : memref<10000xi32, #tpu.memory_space<hbm>>) dst(%arg8 : memref<10000xi32, #tpu.memory_space<vmem>>)
      %parallel_loop3A_82 = arith.constant 0 : i32
      %parallel_loop3A_83 = arith.constant 625 : i32
      %parallel_loop3A_84 = arith.constant 1 : i32
      scf.for %parallel_loop3A_92 = %parallel_loop3A_82 to %parallel_loop3A_83 step %parallel_loop3A_84  : i32 {
        %parallel_loop3A_93 = arith.constant 16 : i32
        %parallel_loop3A_94 = arith.muli %parallel_loop3A_92, %parallel_loop3A_93 : i32
        %parallel_loop3A_95 = arith.index_cast %parallel_loop3A_94 : i32 to index
        %parallel_loop3A_96 = tpu.vector_load %arg8[%parallel_loop3A_95] {strides = array<i32>} : memref<10000xi32, #tpu.memory_space<vmem>>, vector<16xi32>,
        %parallel_loop3A_97 = arith.index_cast %parallel_loop3A_94 : i32 to index
        %parallel_loop3A_98 = tpu.vector_load %arg6[%parallel_loop3A_97] {strides = array<i32>} : memref<10000xf32, #tpu.memory_space<vmem>>, vector<16xf32>,
        tpu.vector_store_idx %arg9[%parallel_loop3A_96], %parallel_loop3A_98 {add = true} : memref<10000xf32, #tpu.memory_space<vmem>>[vector<16xi32>], vector<16xf32>,
      } {sc.loop_unroll_factor = 25 : i64, sc.parallel_access}
      %add3A_85 = arith.constant 2 : i32
      %add3A_86 = arith.addi %add3A_71, %add3A_85 : i32
      %lt3A_87 = arith.constant 16 : i32
      %lt3A_88 = arith.cmpi slt, %add3A_86, %lt3A_87 : i32
      %convert_element_type3A_89 = arith.extui %lt3A_88 : i1 to i32
      %cond3A_90 = arith.constant 0 : i32
      %cond3A_91 = arith.cmpi ne, %convert_element_type3A_89, %cond3A_90 : i32
      scf.if %cond3A_91 {
        %add3A_92 = arith.constant 2 : i32
        %add3A_93 = arith.addi %add3A_71, %add3A_92 : i32
        %mul3A_94 = arith.constant 10000 : i32
        %mul3A_95 = arith.muli %add3A_93, %mul3A_94 : i32
        %add3A_96 = arith.addi %add3A, %mul3A_95 : i32
        %dma_start3A_97 = arith.constant 1 : i32
        %dma_start3A_98 = tpu.memref_slice %arg2[%add3A_96] : memref<5120000xf32, #tpu.memory_space<hbm>> -> memref<10000xf32, #tpu.memory_space<hbm>>
        %dma_start3A_99 = tpu.memref_slice %arg10[%dma_start3A_97] : memref<2x!tpu.dma_semaphore, #tpu.memory_space<semaphore_mem>> -> memref<1x!tpu.dma_semaphore, #tpu.memory_space<semaphore_mem>>
        %dma_start3A_100 = tpu.memref_squeeze %dma_start3A_99 : memref<1x!tpu.dma_semaphore, #tpu.memory_space<semaphore_mem>> -> memref<!tpu.dma_semaphore, #tpu.memory_space<semaphore_mem>>
        %dma_start3A_101 = tpu.memref_slice %arg2[%add3A_96] : memref<5120000xf32, #tpu.memory_space<hbm>> -> memref<10000xf32, #tpu.memory_space<hbm>>
        tpu.enqueue_dma source(%dma_start3A_101 : memref<10000xf32, #tpu.memory_space<hbm>>) target(%arg6 : memref<10000xf32, #tpu.memory_space<vmem>>) target_semaphore(%dma_start3A_100 : memref<!tpu.dma_semaphore, #tpu.memory_space<semaphore_mem>>)
        %mul3A_102 = arith.constant 10000 : i32
        %mul3A_103 = arith.muli %add3A_93, %mul3A_102 : i32
        %add3A_104 = arith.addi %mul3A_9, %mul3A_103 : i32
        %dma_start3A_105 = arith.constant 1 : i32
        %dma_start3A_106 = tpu.memref_slice %arg3[%add3A_104] : memref<320000xi32, #tpu.memory_space<hbm>> -> memref<10000xi32, #tpu.memory_space<hbm>>
        %dma_start3A_107 = tpu.memref_slice %arg11[%dma_start3A_105] : memref<2x!tpu.dma_semaphore, #tpu.memory_space<semaphore_mem>> -> memref<1x!tpu.dma_semaphore, #tpu.memory_space<semaphore_mem>>
        %dma_start3A_108 = tpu.memref_squeeze %dma_start3A_107 : memref<1x!tpu.dma_semaphore, #tpu.memory_space<semaphore_mem>> -> memref<!tpu.dma_semaphore, #tpu.memory_space<semaphore_mem>>
        %dma_start3A_109 = tpu.memref_slice %arg3[%add3A_104] : memref<320000xi32, #tpu.memory_space<hbm>> -> memref<10000xi32, #tpu.memory_space<hbm>>
        tpu.enqueue_dma source(%dma_start3A_109 : memref<10000xi32, #tpu.memory_space<hbm>>) target(%arg8 : memref<10000xi32, #tpu.memory_space<vmem>>) target_semaphore(%dma_start3A_108 : memref<!tpu.dma_semaphore, #tpu.memory_space<semaphore_mem>>)
      } else {
      }
    }
    %scan3A_42 = arith.constant 8 : i32
    %mul3A_43 = arith.constant 16 : i32
    %mul3A_44 = arith.muli %arg0, %mul3A_43 : i32
    %add3A_45 = arith.addi %mul3A_44, %arg1 : i32
    %mul3A_46 = arith.constant 10000 : i32
    %mul3A_47 = arith.muli %add3A_45, %mul3A_46 : i32
    "tpu.region"() ({
      %run_scoped3A = tpu.sem_alloc : memref<!tpu.dma_semaphore, #tpu.memory_space<semaphore_mem>>
      %dma_start3A_48 = tpu.memref_slice %arg4[%mul3A_47] : memref<320000xf32, #tpu.memory_space<hbm>> -> memref<10000xf32, #tpu.memory_space<hbm>>
      %dma_start3A_49 = tpu.memref_slice %arg4[%mul3A_47] : memref<320000xf32, #tpu.memory_space<hbm>> -> memref<10000xf32, #tpu.memory_space<hbm>>
      tpu.enqueue_dma source(%arg9 : memref<10000xf32, #tpu.memory_space<vmem>>) target(%dma_start3A_49 : memref<10000xf32, #tpu.memory_space<hbm>>) target_semaphore(%run_scoped3A : memref<!tpu.dma_semaphore, #tpu.memory_space<semaphore_mem>>)
      %dma_wait3A = tpu.memref_slice %arg4[%mul3A_47] : memref<320000xf32, #tpu.memory_space<hbm>> -> memref<10000xf32, #tpu.memory_space<hbm>>
      %dma_wait3A_50 = tpu.memref_slice %arg4[%mul3A_47] : memref<320000xf32, #tpu.memory_space<hbm>> -> memref<10000xf32, #tpu.memory_space<hbm>>
      tpu.wait_dma2 semaphore(%run_scoped3A : memref<!tpu.dma_semaphore, #tpu.memory_space<semaphore_mem>>) src(%arg9 : memref<10000xf32, #tpu.memory_space<vmem>>) dst(%dma_wait3A_50 : memref<10000xf32, #tpu.memory_space<hbm>>)
      tpu.yield
    }) : () -> ()
    return
  }
}

module attributes {stable_mosaic.version = 14 : i64} {
  func.func @body(%arg0: i32, %arg1: memref<1024x128xf32, #tpu.memory_space<vmem>>, %arg2: memref<32x1024xf32, #tpu.memory_space<vmem>>, %arg3: memref<128x128xf32, #tpu.memory_space<vmem>>, %arg4: memref<16x128xf32, #tpu.memory_space<vmem>>, %arg5: memref<1x128xf32, #tpu.memory_space<vmem>>, %arg6: memref<128x128xf32, #tpu.memory_space<vmem>>, %arg7: memref<1x128xf32, #tpu.memory_space<vmem>>, %arg8: memref<1024x128xf32, #tpu.memory_space<vmem>>) attributes {dimension_semantics = [#tpu.dimension_semantics<arbitrary>], iteration_bounds = array<i64: 10>, scalar_prefetch = 0 : i64, scratch_operands = 0 : i64, tpu.core_type = #tpu.core_type<tc>, window_params = [{transform_indices = @transform_0, window_bounds = array<i64: 1024, 128>}, {transform_indices = @transform_1, window_bounds = array<i64: 32, 1024>}, {pipeline_mode = #tpu.pipeline_mode<synchronous>, transform_indices = @transform_2, window_bounds = array<i64: 128, 128>}, {pipeline_mode = #tpu.pipeline_mode<synchronous>, transform_indices = @transform_3, window_bounds = array<i64: 16, 128>}, {pipeline_mode = #tpu.pipeline_mode<synchronous>, transform_indices = @transform_4, window_bounds = array<i64: 1, 128>}, {pipeline_mode = #tpu.pipeline_mode<synchronous>, transform_indices = @transform_5, window_bounds = array<i64: 128, 128>}, {pipeline_mode = #tpu.pipeline_mode<synchronous>, transform_indices = @transform_6, window_bounds = array<i64: 1, 128>}, {transform_indices = @transform_7, window_bounds = array<i64: 1024, 128>}]} {
    %get3A = arith.constant 0 : index
    %get3A_0 = arith.constant 0 : index
    %get3A_1 = vector.load %arg2[%get3A, %get3A_0] : memref<32x1024xf32, #tpu.memory_space<vmem>>, vector<32x1024xf32>
    %slice3A = vector.extract_strided_slice %get3A_1 {offsets = [0, 0], sizes = [16, 1024], strides = [1, 1]} : vector<32x1024xf32> to vector<16x1024xf32>
    %slice3A_2 = vector.extract_strided_slice %get3A_1 {offsets = [16, 0], sizes = [16, 1024], strides = [1, 1]} : vector<32x1024xf32> to vector<16x1024xf32>
    %add3A = arith.addf %slice3A, %slice3A_2 : vector<16x1024xf32>
    %get3A_3 = arith.constant 0 : index
    %get3A_4 = arith.constant 0 : index
    %get3A_5 = vector.load %arg1[%get3A_3, %get3A_4] : memref<1024x128xf32, #tpu.memory_space<vmem>>, vector<1024x128xf32>
    %get3A_6 = arith.constant 0 : index
    %get3A_7 = arith.constant 0 : index
    %get3A_8 = vector.load %arg3[%get3A_6, %get3A_7] : memref<128x128xf32, #tpu.memory_space<vmem>>, vector<128x128xf32>
    %dot_general3A = arith.constant dense<0.000000e+00> : vector<1024x128xf32>
    %dot_general3A_9 = tpu.matmul %get3A_5, %get3A_8, %dot_general3A {dimension_numbers = #tpu.dot_dimension_numbers<[1], [0], [0], [1], [0, 0, 1, 1], [], []>, transpose_lhs_hint = false} : vector<1024x128xf32>, vector<128x128xf32>, vector<1024x128xf32> -> vector<1024x128xf32>
    %get3A_10 = arith.constant 0 : index
    %get3A_11 = arith.constant 0 : index
    %get3A_12 = vector.load %arg4[%get3A_10, %get3A_11] : memref<16x128xf32, #tpu.memory_space<vmem>>, vector<16x128xf32>
    %dot_general3A_13 = arith.constant dense<0.000000e+00> : vector<1024x128xf32>
    %dot_general3A_14 = tpu.matmul %add3A, %get3A_12, %dot_general3A_13 {dimension_numbers = #tpu.dot_dimension_numbers<[0], [0], [1], [1], [0, 1, 1, 1], [], []>, transpose_lhs_hint = false} : vector<16x1024xf32>, vector<16x128xf32>, vector<1024x128xf32> -> vector<1024x128xf32>
    %add3A_15 = arith.addf %dot_general3A_9, %dot_general3A_14 : vector<1024x128xf32>
    %get3A_16 = arith.constant 0 : index
    %get3A_17 = arith.constant 0 : index
    %get3A_18 = vector.load %arg5[%get3A_16, %get3A_17] : memref<1x128xf32, #tpu.memory_space<vmem>>, vector<1x128xf32>
    %add3A_19 = vector.broadcast %get3A_18 : vector<1x128xf32> to vector<1024x128xf32>
    %add3A_20 = arith.addf %add3A_15, %add3A_19 : vector<1024x128xf32>
    %max3A = arith.constant 0.000000e+00 : f32
    %max3A_21 = vector.broadcast %max3A : f32 to vector<1024x128xf32>
    %max3A_22 = arith.maximumf %add3A_20, %max3A_21 : vector<1024x128xf32>
    %get3A_23 = arith.constant 0 : index
    %get3A_24 = arith.constant 0 : index
    %get3A_25 = vector.load %arg6[%get3A_23, %get3A_24] : memref<128x128xf32, #tpu.memory_space<vmem>>, vector<128x128xf32>
    %dot_general3A_26 = arith.constant dense<0.000000e+00> : vector<1024x128xf32>
    %dot_general3A_27 = tpu.matmul %max3A_22, %get3A_25, %dot_general3A_26 {dimension_numbers = #tpu.dot_dimension_numbers<[1], [0], [0], [1], [0, 0, 1, 1], [], []>, transpose_lhs_hint = false} : vector<1024x128xf32>, vector<128x128xf32>, vector<1024x128xf32> -> vector<1024x128xf32>
    %get3A_28 = arith.constant 0 : index
    %get3A_29 = arith.constant 0 : index
    %get3A_30 = vector.load %arg7[%get3A_28, %get3A_29] : memref<1x128xf32, #tpu.memory_space<vmem>>, vector<1x128xf32>
    %add3A_31 = vector.broadcast %get3A_30 : vector<1x128xf32> to vector<1024x128xf32>
    %add3A_32 = arith.addf %dot_general3A_27, %add3A_31 : vector<1024x128xf32>
    %swap3A = arith.constant 0 : index
    %swap3A_33 = arith.constant 0 : index
    %swap3A_34 = vector.load %arg8[%swap3A, %swap3A_33] : memref<1024x128xf32, #tpu.memory_space<vmem>>, vector<1024x128xf32>
    tpu.vector_store %arg8[%swap3A, %swap3A_33], %add3A_32 {strides = array<i32>} : memref<1024x128xf32, #tpu.memory_space<vmem>>, vector<1024x128xf32>,
    return
  }
  func.func @transform_0(%arg0: i32) -> (i32, i32) {
    %c0_i32 = arith.constant 0 : i32
    %c0_i32_0 = arith.constant 0 : i32
    return %arg0, %c0_i32 : i32, i32
  }
  func.func @transform_1(%arg0: i32) -> (i32, i32) {
    %c0_i32 = arith.constant 0 : i32
    %c0_i32_0 = arith.constant 0 : i32
    return %c0_i32, %arg0 : i32, i32
  }
  func.func @transform_2(%arg0: i32) -> (i32, i32) {
    %c0_i32 = arith.constant 0 : i32
    %c0_i32_0 = arith.constant 0 : i32
    %c0_i32_1 = arith.constant 0 : i32
    return %c0_i32, %c0_i32_0 : i32, i32
  }
  func.func @transform_3(%arg0: i32) -> (i32, i32) {
    %c0_i32 = arith.constant 0 : i32
    %c0_i32_0 = arith.constant 0 : i32
    %c0_i32_1 = arith.constant 0 : i32
    return %c0_i32, %c0_i32_0 : i32, i32
  }
  func.func @transform_4(%arg0: i32) -> (i32, i32) {
    %c0_i32 = arith.constant 0 : i32
    %c0_i32_0 = arith.constant 0 : i32
    %c0_i32_1 = arith.constant 0 : i32
    return %c0_i32, %c0_i32_0 : i32, i32
  }
  func.func @transform_5(%arg0: i32) -> (i32, i32) {
    %c0_i32 = arith.constant 0 : i32
    %c0_i32_0 = arith.constant 0 : i32
    %c0_i32_1 = arith.constant 0 : i32
    return %c0_i32, %c0_i32_0 : i32, i32
  }
  func.func @transform_6(%arg0: i32) -> (i32, i32) {
    %c0_i32 = arith.constant 0 : i32
    %c0_i32_0 = arith.constant 0 : i32
    %c0_i32_1 = arith.constant 0 : i32
    return %c0_i32, %c0_i32_0 : i32, i32
  }
  func.func @transform_7(%arg0: i32) -> (i32, i32) {
    %c0_i32 = arith.constant 0 : i32
    %c0_i32_0 = arith.constant 0 : i32
    return %arg0, %c0_i32 : i32, i32
  }
}

</mosaic_0001>

<sc_bundles>
// kernel: kernel.4.cloned.1.call-start
scs
__scs_entry_jumppad:
0x0: {  	(pc) =	sbr.rel $0x88, $3  }
0x1: {  	(tag) =	ssettag $0x0;
	lr =	simm.s32 $0x1  }
0x2: {  	[smem:$0x3F9A] =	sst lr;
	_ =	strace $0xD0000000  }
0x3: {  	_ = 	snop  }
0x4: {  	_ = 	snop  }
0x5: {  	_ = 	snop  }
0x6: {  	_ = 	snop  }
0x7: {  	_ = 	snop  }
__scs_overlays_trampoline_lowered:
0x8: {  	[smem:$0x3FA9] =	sst s0  }
0x9: {  	[smem:$0x3FAA] =	sst s1  }
0xa: {  	[smem:$0x3FAB] =	sst s2  }
0xb: {  	[smem:$0x3FAC] =	sst s3  }
0xc: {  	[smem:$0x3FAD] =	sst s4  }
0xd: {  	[smem:$0x3FAE] =	sst s5  }
0xe: {  	[smem:$0x3FAF] =	sst s6  }
0xf: {  	[smem:$0x3FB0] =	sst s7  }
0x10: {  	[smem:$0x3FB1] =	sst s8  }
0x11: {  	[smem:$0x3FB2] =	sst s9;
	s0 =	simm.s32 @!p0 $0x0  }
0x12: {  	s1 =	sld [smem:$0x3F98];
	s0 =	simm.s32 @p0 $0x1  }
0x13: {  	[smem:$0x3FB3] =	sst s0;
	s0 =	simm.s32 @!p1 $0x0  }
0x14: {  	s2 =	sld [smem:$0x3F97];
	s0 =	simm.s32 @p1 $0x1  }
0x15: {  	[smem:$0x3FB4] =	sst s0;
	s0 =	simm.s32 @!p2 $0x0  }
0x16: {  	s3 =	sld [smem:$0x3FDB];
	s0 =	simm.s32 @p2 $0x1  }
0x17: {  	s4 =	simm.s32 $0x1BF5;
	[smem:$0x3FB6] =	sst s0  }
0x18: {  	s0 =	sld [smem:$0x3F99];
	_ =	swait.ge [sflag:s4], $0x0  }
0x19: {  	s7 =	sld [smem:$0x3F9A]  }
0x1a: {  	s8 =	sadd.s32 $0xFFFFE003, lr  }
0x1b: {  	s9 =	sadd.s32 $0xFFFFFEF7, lr;
	s5 =	simm.s32 $0xFFFFFFFF;
	p2 =	slt.u32 s8, $0xFFFFF086  }
0x1c: {  	p1 =	slt.u32 s9, $0xF7A;
	s5 =	simm.s32 @!p2 $0x0  }
0x1d: {  	s5 =	simm.s32 @p1 $0x1;
	p0 =	seq.s32 s7, s2  }
0x1e: {  	s7 =	smul.u32 @!p0 $0xF7A, s2;
	p2 =	seq.s32 @!p0 s5, $0x0  }
0x1f: {  	s9 =	smul.u32 $0xF7A, s1;
	s8 =	simm.s32 @!p0 $0x1BF5;
	p2 =	por !p2, p0  }
0x20: {  	[sflag:s8] =	ssyncset.s32 @!p0 $0xFFFFF086;
	s6 =	sadd.s32 @!p0 s3, s7;
	s7 =	simm.s32 @!p0 $0x108  }
0x21: {  	s3 =	sadd.s32 s3, s9;
	s6 =	sadd.s32 @!p0 $0x88, s6;
	s7 =	simm.s32 @p2 $0x1082  }
0x22: {  	[simem:s7], [sflag:s8] =	dma.local @!p0 [hbm:s6], $0xF7A  }
0x23: {  	s9 =	sor.u32 $0xD0000000, s2;
	s6 =	simm.s32 $0x108;
	_ =	swait.ge @!p0 [sflag:s8], $0x0  }
0x24: {  	s3 =	sadd.s32 $0x88, s3;
	s6 =	simm.s32 @!p1 $0x1082;
	[sflag:s4] =	ssyncset.s32 $0xFFFFF086  }
0x25: {  	[simem:s6], [sflag:s4] =	dma.local [hbm:s3], $0xF7A  }
0x26: {  	[smem:$0x3F9A] =	sst s1;
	(tag) =	ssettag s2;
	_ =	strace s9  }
0x27: {  	s1 =	sld [smem:$0x3FAA]  }
0x28: {  	s2 =	sld [smem:$0x3FAB]  }
0x29: {  	s4 =	sld [smem:$0x3FAD]  }
0x2a: {  	p0 =	seq.s32 s5, $0x0;
	s5 =	sld [smem:$0x3FAE]  }
0x2b: {  	s6 =	sld [smem:$0x3FAF]  }
0x2c: {  	s7 =	sld [smem:$0x3FB0]  }
0x2d: {  	s3 =	simm.s32 $0x108;
	s8 =	sld [smem:$0x3FB1]  }
0x2e: {  	s3 =	simm.s32 @!p0 $0x1082;
	s9 =	sld [smem:$0x3FB2]  }
0x2f: {  	lr =	sadd.s32 s0, s3;
	s0 =	sld [smem:$0x3FA9]  }
0x30: {  	s3 =	sld [smem:$0x3FAC]  }
0x31: {  	[smem:$0x3FB5] =	sst s10  }
0x32: {  	s10 =	sld [smem:$0x3FB3];
	_ =	sdelay $0x3  }
0x33: {  	p0 =	seq.s32 s10, $0x1;
	s10 =	sld [smem:$0x3FB5];
	_ =	sdelay $0x3  }
0x34: {  	[smem:$0x3FB5] =	sst s10  }
0x35: {  	s10 =	sld [smem:$0x3FB4];
	_ =	sdelay $0x3  }
0x36: {  	p1 =	seq.s32 s10, $0x1;
	s10 =	sld [smem:$0x3FB5];
	_ =	sdelay $0x3  }
0x37: {  	[smem:$0x3FB5] =	sst s10  }
0x38: {  	s10 =	sld [smem:$0x3FB6]  }
0x39: {  	_ = 	snop;
	(pc) =	sbr.ind lr, $3  }
0x3a: {  	_ = 	snop  }
0x3b: {  	_ = 	snop  }
0x3c: {  	p2 =	seq.s32 s10, $0x1;
	s10 =	sld [smem:$0x3FB5]  }
0x3d: {  	_ =	shalt  }
0x3e: {  	_ =	shalt  }
0x3f: {  	_ =	shalt  }
0x40: {  	_ =	shalt  }
0x41: {  	_ =	shalt  }
0x42: {  	_ =	shalt  }
0x43: {  	_ =	shalt  }
0x44: {  	_ =	shalt  }
0x45: {  	_ =	shalt  }
0x46: {  	_ =	shalt  }
0x47: {  	_ =	shalt  }
0x48: {  	_ =	shalt  }
0x49: {  	_ =	shalt  }
0x4a: {  	_ =	shalt  }
0x4b: {  	_ =	shalt  }
0x4c: {  	_ =	shalt  }
0x4d: {  	_ =	shalt  }
0x4e: {  	_ =	shalt  }
0x4f: {  	_ =	shalt  }
0x50: {  	_ =	shalt  }
0x51: {  	_ =	shalt  }
0x52: {  	_ =	shalt  }
0x53: {  	_ =	shalt  }
0x54: {  	_ =	shalt  }
0x55: {  	_ =	shalt  }
0x56: {  	_ =	shalt  }
0x57: {  	_ =	shalt  }
0x58: {  	_ =	shalt  }
0x59: {  	_ =	shalt  }
0x5a: {  	_ =	shalt  }
0x5b: {  	_ =	shalt  }
0x5c: {  	_ =	shalt  }
0x5d: {  	_ =	shalt  }
0x5e: {  	_ =	shalt  }
0x5f: {  	_ =	shalt  }
0x60: {  	_ =	shalt  }
0x61: {  	_ =	shalt  }
0x62: {  	_ =	shalt  }
0x63: {  	_ =	shalt  }
0x64: {  	_ =	shalt  }
0x65: {  	_ =	shalt  }
0x66: {  	_ =	shalt  }
0x67: {  	_ =	shalt  }
0x68: {  	_ =	shalt  }
0x69: {  	_ =	shalt  }
0x6a: {  	_ =	shalt  }
0x6b: {  	_ =	shalt  }
0x6c: {  	_ =	shalt  }
0x6d: {  	_ =	shalt  }
0x6e: {  	_ =	shalt  }
0x6f: {  	_ =	shalt  }
0x70: {  	_ =	shalt  }
0x71: {  	_ =	shalt  }
0x72: {  	_ =	shalt  }
0x73: {  	_ =	shalt  }
0x74: {  	_ =	shalt  }
0x75: {  	_ =	shalt  }
0x76: {  	_ =	shalt  }
0x77: {  	_ =	shalt  }
0x78: {  	_ =	shalt  }
0x79: {  	_ =	shalt  }
0x7a: {  	_ =	shalt  }
0x7b: {  	_ =	shalt  }
0x7c: {  	_ =	shalt  }
0x7d: {  	_ =	shalt  }
0x7e: {  	_ =	shalt  }
0x7f: {  	_ =	shalt  }
0x80: {  	_ =	shalt  }
0x81: {  	_ =	shalt  }
0x82: {  	_ =	shalt  }
0x83: {  	_ =	shalt  }
0x84: {  	_ =	shalt  }
0x85: {  	_ =	shalt  }
0x86: {  	_ =	shalt  }
0x87: {  	_ =	shalt  }
.Lfunc_end0:
.L_simem_size_0:
called_computation_lowered:
.L_overlay_start_0:
0x88: {  	s2 =	sld [smem:$0x3FD9]  }
0x89: {  	s3 =	sld [smem:$0x3FFE];
	_ =	sdelay $0x1  }
0x8a: {  	s1 =	srdreg.scid  }
0x8b: {  	s0 =	sand.u32 $0x1, s1  }
0x8c: {  	s15 =	sshll.u32 s0, $0xA;
	s2 =	sadd.s32 s3, s2  }
0x8d: {  	s2 =	sadd.s32 s2, s15  }
0x8e: {  	[smem:$0x3FC1] =	sst s2  }
0x8f: {  	_ = 	snop  }
0x90: {  	s2 =	sld [smem:$0x3FD0];
	_ =	sdelay $0x2  }
0x91: {  	s16 =	simm.s32 $0xA;
	s4 =	simm.s32 $0x10  }
0x92: {  	[smem:s4], [sflag:s16] =	dma.local [hbm:s2], $0x1  }
0x93: {  	_ =	swait.eq [sflag:s16], $0x1  }
0x94: {  	s17 =	sld [smem:$0x10];
	[sflag:s16] =	ssyncset.done $0x0  }
0x95: {  	s18 =	sld [smem:$0x11];
	[sflag:s16] =	ssyncadd.s32 $0xFFFFFFFF  }
0x96: {  	s19 =	sld [smem:$0x12];
	(tm) =	ssettm $0x1  }
0x97: {  	s5 =	sld [smem:$0x3FFB];
	_ =	sdelay $0x3  }
0x98: {  	_ =	strace s5  }
0x99: {  	s5 =	sld [smem:$0x3FFC];
	_ =	sdelay $0x3  }
0x9a: {  	_ =	strace s5  }
0x9b: {  	s5 =	sld [smem:$0x3FFD];
	_ =	sdelay $0x3  }
0x9c: {  	_ =	strace s5  }
0x9d: {  	_ =	strace $0x8FFFFFFF  }
0x9e: {  	s20 =	sld [smem:$0x3FDB];
	_ =	sdelay $0x1  }
0x9f: {  	s6 =	simm.s32 $_scs_section_size  }
0xa0: {  	s7 =	simm.s32 $_size__tile_overlayer_lowered;
	s8 =	simm.s32 $_tile_overlayer_lowered  }
0xa1: {  	s23 =	simm.s32 $0x1BFF;
	s22 =	sshll.u32 s8, $0x1;
	s5 =	sadd.s32 s6, s20  }
0xa2: {  	s9 =	simm.s32 $0x0;
	s21 =	sshll.u32 s7, $0x1;
	s7 =	sadd.s32 s22, s5  }
0xa3: {  	[timem:s9], [sflag:s23] =	dma.local [hbm:s7], s21  }
0xa4: {  	_ =	swait.ge [sflag:s23], s21  }
0xa5: {  	s6 =	ssub.s32 $0x0, s21;
	[sflag:s23] =	ssyncset.done $0x0  }
0xa6: {  	[sflag:s23] =	ssyncadd.s32 s6;
	_ =	sdelay $0x1  }
0xa7: {  	s24 =	simm.s32 $0x1B8B  }
0xa8: {  	_ =	swait.ge [sflag:s24], $0x1  }
0xa9: {  	[sflag:s24] =	ssyncset.done $0x0  }
0xaa: {  	s25 =	simm.s32 $0x1B8E;
	[sflag:s24] =	ssyncadd.s32 $0xFFFFFFFF  }
0xab: {  	s26 =	simm.s32 $execute0_lowered;
	[smem:$0x3FD2] =	sst s25  }
0xac: {  	s6 =	sshll.u32 s26, $0x1;
	_ =	strace $0x80000046;
	[dreg:$0x1] =	wrdreg $0xFFFFFFFF  }
0xad: {  	s28 =	simm.s32 $_size_execute0_lowered;
	s5 =	sadd.s32 s5, s6;
	[dreg:$0x0] =	wrdreg $0x0  }
0xae: {  	s6 =	sshll.u32 s28, $0x1;
	[dreg:$0x2] =	wrdreg s5  }
0xaf: {  	[dreg:$0x3] =	wrdreg s6  }
0xb0: {  	[dreg:$0x4] =	wrdreg $0xC0  }
0xb1: {  	_ =	task [dreg:s9], $0x5FFFF  }
0xb2: {  	[dreg:$0x1] =	wrdreg $0xFFFFFFFF  }
0xb3: {  	[dreg:$0x0] =	wrdreg $0x60  }
0xb4: {  	[dreg:$0x2] =	wrdreg s18  }
0xb5: {  	[dreg:$0x3] =	wrdreg s19  }
0xb6: {  	[dreg:$0x4] =	wrdreg s17  }
0xb7: {  	[dreg:$0x5] =	wrdreg $0x9  }
0xb8: {  	_ =	task.clear_ibuf [dreg:s9], $0x6FFFF;
	_ =	strace $0x90000046  }
0xb9: {  	s29 =	simm.s32 $0x9;
	_ =	strace $0x80000048  }
0xba: {  	_ =	swait.ge [sflag:s29], $0x1  }
0xbb: {  	[sflag:s29] =	ssyncadd.s32 $0xFFFFFFFF  }
0xbc: {  	_ =	strace $0x90000048  }
0xbd: {  	_ =	sfence  }
0xbe: {  	s30 =	sld [smem:$0x0];
	_ =	sdelay $0x2  }
0xbf: {  	s31 =	sshll.u32 s1, $0xD;
	s1 =	sshrl.u32 s1, $0x2  }
0xc0: {  	s3 =	sand.u32 $0x4000, s31;
	s1 =	sadd.s32 s1, s30  }
0xc1: {  	s0 =	sor.u32 s3, s0;
	s1 =	sshll.u32 s1, $0x11  }
0xc2: {  	s0 =	sor.u32 s1, s0  }
0xc3: {  	s0 =	sadd.s32 $0x8F2B, s0  }
0xc4: {  	[sflag:s0] =	ssyncadd.remote.s32 $0x1  }
0xc5: {  	_ =	sfence.sel $0xFFFF  }
0xc6: {  	[dreg:$0x0] =	wrdreg $0xFFFFFFFF;
	(pc) =	sbr.abs _section_cstart, $3  }
0xc7: {  	[dreg:$0x1] =	wrdreg $0xFFFFFFFF  }
0xc8: {  	_ =	task.clear_ibuf [dreg:s9], $0x2FFFF;
	_ =	strace $0x9FFFFFFF  }
0xc9: {  	(tm) =	ssettm $0x7FFFFFFF  }
tec
execute0_lowered:
.L_overlay_start_1:
0x0: {  	(tag) =	ssettag $0x1  }
0x1: {  	s1 =	rddreg [dreg:$0x0]  }
0x2: {  	s3 =	rddreg [dreg:$0x1]  }
0x3: {  	s11 =	rddreg [dreg:$0x2]  }
0x4: {  	s0 =	rddreg [dreg:$0x3];
	s5 =	srdreg.scid  }
0x5: {  	s2 =	stileid.u32;
	s4 =	simm.s32 $0x0;
	s14 =	simm.s32 $0x2780  }
0x6: {  	s15 =	simm.s32 $0x7680;
	s16 =	simm.s32 $0x1;
	s17 =	simm.s32 $0x3  }
0x7: {  	s18 =	simm.s32 $0x9E00;
	s19 =	simm.s32 $0x2;
	s20 =	simm.s32 $0x4  }
0x8: {  	s21 =	simm.s32 $0x5;
	s7 =	sand.u32 $0x1, s5;
	s6 =	smul.u32 $0x4E200, s2  }
0x9: {  	s22 =	simm.s32 $0x0;
	[smem:$0x7FF] =	sst s4;
	s5 =	smul.u32 $0x27100, s7  }
0xa: {  	_ =	strace $0x80000047;
	s9 =	ssub.s32 $0x2, s7;
	s7 =	sshll.u32 s7, $0x4  }
.Ltmp0:
0xb: {  	s10 =	sshrl.u32 s9, $0x1;
	s13 =	sor.u32 s2, s7;
	(pc) =	sbr.rel .LBB2_1-.Ltmp0, $4  }
0xc: {  	s6 =	sadd.s32 s5, s6;
	s12 =	sshrl.u32 s5, $0x3;
	s30 =	smul.u32 $0x4E2, s13  }
0xd: {  	s31 =	ssub.s32 s9, s10;
	s13 =	simm.s32 $0x4F00;
	s8 =	sshrl.u32 s6, $0x3  }
0xe: {  	s7 =	sadd.s32 s1, s8;
	s8 =	sadd.s32 s3, s12;
	s11 =	sadd.s32 s11, s30  }
0xf: {  	v0 =	vimm.f32 $0.0e+00;
	s12 =	smax.u32 s31, $0x1;
	s9 =	sadd.s32 $0x4E2, s7;
	s10 =	sadd.s32 $0x4E2, s8  }
.LBB2_10:
0x10: {  	s22 =	sadd.s32 $0x1, s22  }
0x11: {  	p0 =	sne.s32 s22, s12  }
.Ltmp1:
0x12: {  	_ = 	snop;
	(pc) =	sbr.rel @!p0 .LBB2_11-.Ltmp1, $4  }
0x13: {  	[hbm4b:s11+s4] =	stream.linear.scatter [tilespmem:s18], [sflag:$0x5], $0x2710, $0x38;
	[tilespmem:$0xC580] =	vst v63  }
0x14: {  	_ =	swait.ge [sflag:s21], $0x2710  }
0x15: {  	[sflag:s21] =	ssyncset.done $0x0  }
0x16: {  	[sflag:s21] =	ssyncadd.s32 $0xFFFFD8F0  }
.LBB2_1:
0x17: {  	s23 =	simm.s32 $0x40;
	s24 =	simm.s32 $0x0  }
.LBB2_2:
0x18: {  	p0 =	sne.s32 s23, $0x9C00;
	[tilespmem:s24+$0x9E00] =	vst v0;
	s24 =	smov.u32 s23;
	s23 =	sadd.s32 $0x40, s23  }
.Ltmp2:
0x19: {  	(pc) =	sbr.rel @p0 .LBB2_2-.Ltmp2, $2  }
0x1a: {  	_ =	sdelay $0x2  }
0x1b: {  	s24 =	sshra.s32 s24, $0x2  }
0x1c: {  	[tilespmem:s24+$0x9E00] =	vst v0;
	s23 =	simm.s32 $0x0  }
0x1d: {  	[tilespmem:s23], [sflag:$0x1] =	stream.linear.gather [hbm4b:s7+s23], $0x2710, $0x38;
	[tilespmem:$0xC580] =	vst v63  }
0x1e: {  	_ = 	snop  }
0x1f: {  	[tilespmem:s13], [sflag:$0x3] =	stream.linear.gather [hbm4b:s8+s23], $0x2710, $0x38;
	[tilespmem:$0xC580] =	vst v63  }
0x20: {  	_ = 	snop  }
0x21: {  	[tilespmem:s14], [sflag:$0x2] =	stream.linear.gather [hbm4b:s9+s23], $0x2710, $0x38;
	[tilespmem:$0xC580] =	vst v63  }
0x22: {  	s24 =	simm.s32 $0x0  }
0x23: {  	[tilespmem:s15], [sflag:$0x4] =	stream.linear.gather [hbm4b:s10+s23], $0x2710, $0x38;
	[tilespmem:$0xC580] =	vst v63  }
.LBB2_4:
0x24: {  	_ =	swait.ge [sflag:s16], $0x2710  }
0x25: {  	[sflag:s16] =	ssyncset.done $0x0  }
0x26: {  	[sflag:s16] =	ssyncadd.s32 $0xFFFFD8F0  }
0x27: {  	_ =	swait.ge [sflag:s17], $0x2710  }
0x28: {  	[sflag:s17] =	ssyncset.done $0x0  }
0x29: {  	s26 =	simm.s32 $0xC0;
	[sflag:s17] =	ssyncadd.s32 $0xFFFFD8F0  }
0x2a: {  	s25 =	simm.s32 $0x4FC0;
	v1 =	vld [tilespmem:s26+$0xB0]  }
0x2b: {  	s28 =	sand.u32 $0x3FF0, s23;
	v2 =	vld [tilespmem:s25+$0xB0]  }
0x2c: {  	v3 =	vld [tilespmem:s28+$0x5080]  }
0x2d: {  	v4 =	vld [tilespmem:s28+$0x4F80]  }
0x2e: {  	v5 =	vld [tilespmem:s28+$0x5000]  }
0x2f: {  	v6 =	vld [tilespmem:s28+$0x180]  }
0x30: {  	v7 =	vld [tilespmem:s28+$0x80]  }
0x31: {  	v8 =	vld [tilespmem:s28+$0x100]  }
0x32: {  	v9 =	vld [tilespmem:s25+$0xFFFFFF50]  }
0x33: {  	v59 =	vld [tilespmem:s25+$0xFFFFFF90]  }
0x34: {  	v60 =	vld [tilespmem:s25+$0xFFFFFFA0]  }
0x35: {  	v61 =	vld [tilespmem:s25+$0xFFFFFFB0]  }
0x36: {  	v62 =	vld [tilespmem:s25+$0xFFFFFFD0]  }
0x37: {  	v63 =	vld [tilespmem:s25+$0xFFFFFFE0]  }
0x38: {  	v10 =	vld [tilespmem:s25+$0xFFFFFFF0]  }
0x39: {  	v11 =	vld [tilespmem:s25+$0x0]  }
0x3a: {  	v12 =	vld [tilespmem:s25+$0x10]  }
0x3b: {  	v13 =	vld [tilespmem:s25+$0x20]  }
0x3c: {  	v14 =	vld [tilespmem:s25+$0x30]  }
0x3d: {  	v15 =	vld [tilespmem:s25+$0x50]  }
0x3e: {  	v16 =	vld [tilespmem:s25+$0x60]  }
0x3f: {  	v17 =	vld [tilespmem:s25+$0x70]  }
0x40: {  	v18 =	vld [tilespmem:s25+$0x80]  }
0x41: {  	v19 =	vld [tilespmem:s25+$0x90]  }
0x42: {  	v20 =	vld [tilespmem:s25+$0xA0]  }
0x43: {  	v21 =	vld [tilespmem:s25+$0xFFFFFF40]  }
0x44: {  	v22 =	vld [tilespmem:s26+$0xFFFFFF40]  }
0x45: {  	v23 =	vld [tilespmem:s26+$0xFFFFFF50]  }
0x46: {  	v24 =	vld [tilespmem:s26+$0xFFFFFF60]  }
0x47: {  	v25 =	vld [tilespmem:s26+$0xFFFFFF70]  }
0x48: {  	v26 =	vld [tilespmem:s26+$0xFFFFFF80]  }
0x49: {  	v27 =	vld [tilespmem:s26+$0xFFFFFF90]  }
0x4a: {  	v28 =	vld [tilespmem:s26+$0xFFFFFFA0]  }
0x4b: {  	v29 =	vld [tilespmem:s26+$0xFFFFFFB0]  }
0x4c: {  	v30 =	vld [tilespmem:s26+$0xFFFFFFD0]  }
0x4d: {  	v31 =	vld [tilespmem:s26+$0xFFFFFFE0]  }
0x4e: {  	v32 =	vld [tilespmem:s26+$0xFFFFFFF0]  }
0x4f: {  	v33 =	vld [tilespmem:s26+$0x0]  }
0x50: {  	v34 =	vld [tilespmem:s26+$0x10]  }
0x51: {  	v35 =	vld [tilespmem:s26+$0x20]  }
0x52: {  	v36 =	vld [tilespmem:s26+$0x30]  }
0x53: {  	v37 =	vld [tilespmem:s26+$0x50]  }
0x54: {  	v38 =	vld [tilespmem:s26+$0x60]  }
0x55: {  	v39 =	vld [tilespmem:s26+$0x70]  }
0x56: {  	v40 =	vld [tilespmem:s26+$0x80]  }
0x57: {  	v41 =	vld [tilespmem:s26+$0x90]  }
0x58: {  	v42 =	vld [tilespmem:s26+$0xA0]  }
0x59: {  	[tilespmem:v2+s18+$0x0] =	vst.idx.add.f32.msk $0xffff, v1  }
0x5a: {  	[tilespmem:v3+s18+$0x0] =	vst.idx.add.f32.msk $0xffff, v6  }
0x5b: {  	[tilespmem:v4+s18+$0x0] =	vst.idx.add.f32.msk $0xffff, v7  }
0x5c: {  	[tilespmem:v5+s18+$0x0] =	vst.idx.add.f32.msk $0xffff, v8  }
0x5d: {  	v1 =	vld [tilespmem:s25+$0xFFFFFF60]  }
0x5e: {  	v2 =	vld [tilespmem:s25+$0xFFFFFF70]  }
0x5f: {  	v3 =	vld [tilespmem:s25+$0xFFFFFF80]  }
0x60: {  	[tilespmem:v21+s18+$0x0] =	vst.idx.add.f32.msk $0xffff, v22  }
0x61: {  	[tilespmem:v9+s18+$0x0] =	vst.idx.add.f32.msk $0xffff, v23  }
0x62: {  	[tilespmem:v59+s18+$0x0] =	vst.idx.add.f32.msk $0xffff, v27  }
0x63: {  	[tilespmem:v60+s18+$0x0] =	vst.idx.add.f32.msk $0xffff, v28  }
0x64: {  	[tilespmem:v61+s18+$0x0] =	vst.idx.add.f32.msk $0xffff, v29  }
0x65: {  	[tilespmem:v62+s18+$0x0] =	vst.idx.add.f32.msk $0xffff, v30  }
0x66: {  	[tilespmem:v63+s18+$0x0] =	vst.idx.add.f32.msk $0xffff, v31  }
0x67: {  	[tilespmem:v10+s18+$0x0] =	vst.idx.add.f32.msk $0xffff, v32  }
0x68: {  	[tilespmem:v11+s18+$0x0] =	vst.idx.add.f32.msk $0xffff, v33  }
0x69: {  	[tilespmem:v12+s18+$0x0] =	vst.idx.add.f32.msk $0xffff, v34  }
0x6a: {  	[tilespmem:v13+s18+$0x0] =	vst.idx.add.f32.msk $0xffff, v35  }
0x6b: {  	[tilespmem:v14+s18+$0x0] =	vst.idx.add.f32.msk $0xffff, v36  }
0x6c: {  	[tilespmem:v15+s18+$0x0] =	vst.idx.add.f32.msk $0xffff, v37  }
0x6d: {  	[tilespmem:v16+s18+$0x0] =	vst.idx.add.f32.msk $0xffff, v38  }
0x6e: {  	[tilespmem:v17+s18+$0x0] =	vst.idx.add.f32.msk $0xffff, v39  }
0x6f: {  	[tilespmem:v18+s18+$0x0] =	vst.idx.add.f32.msk $0xffff, v40  }
0x70: {  	[tilespmem:v19+s18+$0x0] =	vst.idx.add.f32.msk $0xffff, v41  }
0x71: {  	[tilespmem:v20+s18+$0x0] =	vst.idx.add.f32.msk $0xffff, v42  }
0x72: {  	[tilespmem:v1+s18+$0x0] =	vst.idx.add.f32.msk $0xffff, v24  }
0x73: {  	[tilespmem:v2+s18+$0x0] =	vst.idx.add.f32.msk $0xffff, v25  }
0x74: {  	s29 =	simm.s32 $0x0;
	s26 =	simm.s32 $0x0;
	s28 =	simm.s32 $0x250;
	[tilespmem:v3+s18+$0x0] =	vst.idx.add.f32.msk $0xffff, v26  }
.LBB2_5:
0x75: {  	v1 =	vld [tilespmem:s28+$0xB0];
	s29 =	sadd.s32 $0x190, s29;
	s25 =	sadd.s32 $0x190, s25  }
0x76: {  	s26 =	sadd.s32 $0x19, s26;
	s30 =	sand.u32 $0x3FF0, s29;
	v2 =	vld [tilespmem:s25+$0xB0]  }
0x77: {  	p0 =	slt.u32 s26, $0x258;
	v3 =	vld [tilespmem:s30+$0x5080]  }
0x78: {  	v4 =	vld [tilespmem:s30+$0x4F80]  }
0x79: {  	v5 =	vld [tilespmem:s30+$0x5000]  }
0x7a: {  	v6 =	vld [tilespmem:s30+$0x180]  }
0x7b: {  	v7 =	vld [tilespmem:s30+$0x80]  }
0x7c: {  	v8 =	vld [tilespmem:s30+$0x100]  }
0x7d: {  	v9 =	vld [tilespmem:s25+$0xFFFFFF50]  }
0x7e: {  	[tilespmem:v2+s18+$0x0] =	vst.idx.add.f32.msk $0xffff, v1  }
0x7f: {  	[tilespmem:v3+s18+$0x0] =	vst.idx.add.f32.msk $0xffff, v6  }
0x80: {  	[tilespmem:v4+s18+$0x0] =	vst.idx.add.f32.msk $0xffff, v7  }
0x81: {  	[tilespmem:v5+s18+$0x0] =	vst.idx.add.f32.msk $0xffff, v8  }
0x82: {  	v1 =	vld [tilespmem:s25+$0xFFFFFF60]  }
0x83: {  	v2 =	vld [tilespmem:s25+$0xFFFFFF70]  }
0x84: {  	v3 =	vld [tilespmem:s25+$0xFFFFFF80]  }
0x85: {  	v4 =	vld [tilespmem:s25+$0xFFFFFF90]  }
0x86: {  	v5 =	vld [tilespmem:s25+$0xFFFFFFA0]  }
0x87: {  	v6 =	vld [tilespmem:s25+$0xFFFFFFB0]  }
0x88: {  	v7 =	vld [tilespmem:s25+$0xFFFFFFD0]  }
0x89: {  	v8 =	vld [tilespmem:s25+$0xFFFFFFE0]  }
0x8a: {  	v10 =	vld [tilespmem:s25+$0xFFFFFFF0]  }
0x8b: {  	v11 =	vld [tilespmem:s25+$0x0]  }
0x8c: {  	v12 =	vld [tilespmem:s25+$0x10]  }
0x8d: {  	v13 =	vld [tilespmem:s25+$0x20]  }
0x8e: {  	v14 =	vld [tilespmem:s25+$0x30]  }
0x8f: {  	v15 =	vld [tilespmem:s25+$0x50]  }
0x90: {  	v16 =	vld [tilespmem:s25+$0x60]  }
0x91: {  	v17 =	vld [tilespmem:s25+$0x70]  }
0x92: {  	v18 =	vld [tilespmem:s25+$0x80]  }
0x93: {  	v19 =	vld [tilespmem:s25+$0x90]  }
0x94: {  	v20 =	vld [tilespmem:s25+$0xA0]  }
0x95: {  	v21 =	vld [tilespmem:s25+$0xFFFFFF40]  }
0x96: {  	v22 =	vld [tilespmem:s28+$0xFFFFFF40]  }
0x97: {  	v23 =	vld [tilespmem:s28+$0xFFFFFF50]  }
0x98: {  	v24 =	vld [tilespmem:s28+$0xFFFFFF60]  }
0x99: {  	v25 =	vld [tilespmem:s28+$0xFFFFFF70]  }
0x9a: {  	v26 =	vld [tilespmem:s28+$0xFFFFFF80]  }
0x9b: {  	v27 =	vld [tilespmem:s28+$0xFFFFFF90]  }
0x9c: {  	v28 =	vld [tilespmem:s28+$0xFFFFFFA0]  }
0x9d: {  	v29 =	vld [tilespmem:s28+$0xFFFFFFB0]  }
0x9e: {  	v30 =	vld [tilespmem:s28+$0xFFFFFFD0]  }
0x9f: {  	v31 =	vld [tilespmem:s28+$0xFFFFFFE0]  }
0xa0: {  	v32 =	vld [tilespmem:s28+$0xFFFFFFF0]  }
0xa1: {  	v33 =	vld [tilespmem:s28+$0x0]  }
0xa2: {  	v34 =	vld [tilespmem:s28+$0x10]  }
0xa3: {  	v35 =	vld [tilespmem:s28+$0x20]  }
0xa4: {  	v36 =	vld [tilespmem:s28+$0x30]  }
0xa5: {  	v37 =	vld [tilespmem:s28+$0x50]  }
0xa6: {  	v38 =	vld [tilespmem:s28+$0x60]  }
0xa7: {  	v39 =	vld [tilespmem:s28+$0x70]  }
0xa8: {  	v40 =	vld [tilespmem:s28+$0x80]  }
0xa9: {  	v41 =	vld [tilespmem:s28+$0x90]  }
0xaa: {  	v42 =	vld [tilespmem:s28+$0xA0]  }
0xab: {  	[tilespmem:v21+s18+$0x0] =	vst.idx.add.f32.msk $0xffff, v22  }
0xac: {  	[tilespmem:v9+s18+$0x0] =	vst.idx.add.f32.msk $0xffff, v23  }
0xad: {  	[tilespmem:v1+s18+$0x0] =	vst.idx.add.f32.msk $0xffff, v24  }
0xae: {  	[tilespmem:v2+s18+$0x0] =	vst.idx.add.f32.msk $0xffff, v25  }
0xaf: {  	[tilespmem:v3+s18+$0x0] =	vst.idx.add.f32.msk $0xffff, v26  }
0xb0: {  	[tilespmem:v4+s18+$0x0] =	vst.idx.add.f32.msk $0xffff, v27  }
0xb1: {  	[tilespmem:v5+s18+$0x0] =	vst.idx.add.f32.msk $0xffff, v28  }
0xb2: {  	[tilespmem:v6+s18+$0x0] =	vst.idx.add.f32.msk $0xffff, v29  }
0xb3: {  	[tilespmem:v7+s18+$0x0] =	vst.idx.add.f32.msk $0xffff, v30  }
0xb4: {  	[tilespmem:v8+s18+$0x0] =	vst.idx.add.f32.msk $0xffff, v31  }
0xb5: {  	[tilespmem:v10+s18+$0x0] =	vst.idx.add.f32.msk $0xffff, v32  }
0xb6: {  	[tilespmem:v11+s18+$0x0] =	vst.idx.add.f32.msk $0xffff, v33  }
0xb7: {  	[tilespmem:v12+s18+$0x0] =	vst.idx.add.f32.msk $0xffff, v34  }
0xb8: {  	[tilespmem:v13+s18+$0x0] =	vst.idx.add.f32.msk $0xffff, v35  }
0xb9: {  	[tilespmem:v14+s18+$0x0] =	vst.idx.add.f32.msk $0xffff, v36  }
0xba: {  	[tilespmem:v15+s18+$0x0] =	vst.idx.add.f32.msk $0xffff, v37  }
.Ltmp3:
0xbb: {  	[tilespmem:v16+s18+$0x0] =	vst.idx.add.f32.msk $0xffff, v38;
	(pc) =	sbr.rel @p0 .LBB2_5-.Ltmp3, $4  }
0xbc: {  	[tilespmem:v17+s18+$0x0] =	vst.idx.add.f32.msk $0xffff, v39  }
0xbd: {  	[tilespmem:v18+s18+$0x0] =	vst.idx.add.f32.msk $0xffff, v40  }
0xbe: {  	[tilespmem:v19+s18+$0x0] =	vst.idx.add.f32.msk $0xffff, v41  }
0xbf: {  	s28 =	sadd.s32 $0x190, s28;
	[tilespmem:v20+s18+$0x0] =	vst.idx.add.f32.msk $0xffff, v42  }
0xc0: {  	p0 =	seq.s32 s24, $0x7  }
0xc1: {  	s25 =	smul.u32 @!p0 $0x4E20, s24;
	_ =	sdelay $0x1  }
0xc2: {  	s25 =	sadd.s32 @!p0 $0x4E20, s25  }
0xc3: {  	s26 =	sadd.s32 @!p0 s6, s25  }
0xc4: {  	s25 =	sadd.s32 @!p0 s5, s25;
	s26 =	sshrl.u32 @!p0 s26, $0x3  }
0xc5: {  	s28 =	simm.s32 @!p0 $0x0;
	s25 =	sshrl.u32 @!p0 s25, $0x3;
	s26 =	sadd.s32 @!p0 s1, s26  }
0xc6: {  	[tilespmem:s28], [sflag:$0x1] =	stream.linear.gather @!p0 [hbm4b:s26+s28], $0x2710, $0x38;
	[tilespmem:$0xC580] =	vst v63  }
0xc7: {  	s25 =	sadd.s32 @!p0 s3, s25;
	s26 =	simm.s32 @!p0 $0x4F00  }
0xc8: {  	[tilespmem:s26], [sflag:$0x3] =	stream.linear.gather @!p0 [hbm4b:s25+s28], $0x2710, $0x38;
	[tilespmem:$0xC580] =	vst v63  }
0xc9: {  	_ =	swait.ge [sflag:s19], $0x2710  }
0xca: {  	[sflag:s19] =	ssyncset.done $0x0  }
0xcb: {  	[sflag:s19] =	ssyncadd.s32 $0xFFFFD8F0  }
0xcc: {  	_ =	swait.ge [sflag:s20], $0x2710  }
0xcd: {  	[sflag:s20] =	ssyncset.done $0x0  }
0xce: {  	s28 =	simm.s32 $0x2840;
	[sflag:s20] =	ssyncadd.s32 $0xFFFFD8F0  }
0xcf: {  	s25 =	simm.s32 $0x0;
	s26 =	simm.s32 $0x7740;
	v1 =	vld [tilespmem:s28+$0xB0]  }
0xd0: {  	s29 =	sand.u32 $0x3FF0, s25;
	v2 =	vld [tilespmem:s26+$0xB0]  }
0xd1: {  	v3 =	vld [tilespmem:s29+$0x7800]  }
0xd2: {  	v4 =	vld [tilespmem:s29+$0x7700]  }
0xd3: {  	v5 =	vld [tilespmem:s29+$0x7780]  }
0xd4: {  	v6 =	vld [tilespmem:s29+$0x2900]  }
0xd5: {  	v7 =	vld [tilespmem:s29+$0x2800]  }
0xd6: {  	v8 =	vld [tilespmem:s29+$0x2880]  }
0xd7: {  	v9 =	vld [tilespmem:s26+$0xFFFFFF50]  }
0xd8: {  	v59 =	vld [tilespmem:s26+$0xFFFFFF90]  }
0xd9: {  	v60 =	vld [tilespmem:s26+$0xFFFFFFA0]  }
0xda: {  	v61 =	vld [tilespmem:s26+$0xFFFFFFB0]  }
0xdb: {  	v62 =	vld [tilespmem:s26+$0xFFFFFFD0]  }
0xdc: {  	v63 =	vld [tilespmem:s26+$0xFFFFFFE0]  }
0xdd: {  	v10 =	vld [tilespmem:s26+$0xFFFFFFF0]  }
0xde: {  	v11 =	vld [tilespmem:s26+$0x0]  }
0xdf: {  	v12 =	vld [tilespmem:s26+$0x10]  }
0xe0: {  	v13 =	vld [tilespmem:s26+$0x20]  }
0xe1: {  	v14 =	vld [tilespmem:s26+$0x30]  }
0xe2: {  	v15 =	vld [tilespmem:s26+$0x50]  }
0xe3: {  	v16 =	vld [tilespmem:s26+$0x60]  }
0xe4: {  	v17 =	vld [tilespmem:s26+$0x70]  }
0xe5: {  	v18 =	vld [tilespmem:s26+$0x80]  }
0xe6: {  	v19 =	vld [tilespmem:s26+$0x90]  }
0xe7: {  	v20 =	vld [tilespmem:s26+$0xA0]  }
0xe8: {  	v21 =	vld [tilespmem:s26+$0xFFFFFF40]  }
0xe9: {  	v22 =	vld [tilespmem:s28+$0xFFFFFF40]  }
0xea: {  	v23 =	vld [tilespmem:s28+$0xFFFFFF50]  }
0xeb: {  	v24 =	vld [tilespmem:s28+$0xFFFFFF60]  }
0xec: {  	v25 =	vld [tilespmem:s28+$0xFFFFFF70]  }
0xed: {  	v26 =	vld [tilespmem:s28+$0xFFFFFF80]  }
0xee: {  	v27 =	vld [tilespmem:s28+$0xFFFFFF90]  }
0xef: {  	v28 =	vld [tilespmem:s28+$0xFFFFFFA0]  }
0xf0: {  	v29 =	vld [tilespmem:s28+$0xFFFFFFB0]  }
0xf1: {  	v30 =	vld [tilespmem:s28+$0xFFFFFFD0]  }
0xf2: {  	v31 =	vld [tilespmem:s28+$0xFFFFFFE0]  }
0xf3: {  	v32 =	vld [tilespmem:s28+$0xFFFFFFF0]  }
0xf4: {  	v33 =	vld [tilespmem:s28+$0x0]  }
0xf5: {  	v34 =	vld [tilespmem:s28+$0x10]  }
0xf6: {  	v35 =	vld [tilespmem:s28+$0x20]  }
0xf7: {  	v36 =	vld [tilespmem:s28+$0x30]  }
0xf8: {  	v37 =	vld [tilespmem:s28+$0x50]  }
0xf9: {  	v38 =	vld [tilespmem:s28+$0x60]  }
0xfa: {  	v39 =	vld [tilespmem:s28+$0x70]  }
0xfb: {  	v40 =	vld [tilespmem:s28+$0x80]  }
0xfc: {  	v41 =	vld [tilespmem:s28+$0x90]  }
0xfd: {  	v42 =	vld [tilespmem:s28+$0xA0]  }
0xfe: {  	[tilespmem:v2+s18+$0x0] =	vst.idx.add.f32.msk $0xffff, v1  }
0xff: {  	[tilespmem:v3+s18+$0x0] =	vst.idx.add.f32.msk $0xffff, v6  }
0x100: {  	[tilespmem:v4+s18+$0x0] =	vst.idx.add.f32.msk $0xffff, v7  }
0x101: {  	[tilespmem:v5+s18+$0x0] =	vst.idx.add.f32.msk $0xffff, v8  }
0x102: {  	v1 =	vld [tilespmem:s26+$0xFFFFFF60]  }
0x103: {  	v2 =	vld [tilespmem:s26+$0xFFFFFF70]  }
0x104: {  	v3 =	vld [tilespmem:s26+$0xFFFFFF80]  }
0x105: {  	[tilespmem:v21+s18+$0x0] =	vst.idx.add.f32.msk $0xffff, v22  }
0x106: {  	[tilespmem:v9+s18+$0x0] =	vst.idx.add.f32.msk $0xffff, v23  }
0x107: {  	[tilespmem:v59+s18+$0x0] =	vst.idx.add.f32.msk $0xffff, v27  }
0x108: {  	[tilespmem:v60+s18+$0x0] =	vst.idx.add.f32.msk $0xffff, v28  }
0x109: {  	[tilespmem:v61+s18+$0x0] =	vst.idx.add.f32.msk $0xffff, v29  }
0x10a: {  	[tilespmem:v62+s18+$0x0] =	vst.idx.add.f32.msk $0xffff, v30  }
0x10b: {  	[tilespmem:v63+s18+$0x0] =	vst.idx.add.f32.msk $0xffff, v31  }
0x10c: {  	[tilespmem:v10+s18+$0x0] =	vst.idx.add.f32.msk $0xffff, v32  }
0x10d: {  	[tilespmem:v11+s18+$0x0] =	vst.idx.add.f32.msk $0xffff, v33  }
0x10e: {  	[tilespmem:v12+s18+$0x0] =	vst.idx.add.f32.msk $0xffff, v34  }
0x10f: {  	[tilespmem:v13+s18+$0x0] =	vst.idx.add.f32.msk $0xffff, v35  }
0x110: {  	[tilespmem:v14+s18+$0x0] =	vst.idx.add.f32.msk $0xffff, v36  }
0x111: {  	[tilespmem:v15+s18+$0x0] =	vst.idx.add.f32.msk $0xffff, v37  }
0x112: {  	[tilespmem:v16+s18+$0x0] =	vst.idx.add.f32.msk $0xffff, v38  }
0x113: {  	[tilespmem:v17+s18+$0x0] =	vst.idx.add.f32.msk $0xffff, v39  }
0x114: {  	[tilespmem:v18+s18+$0x0] =	vst.idx.add.f32.msk $0xffff, v40  }
0x115: {  	[tilespmem:v19+s18+$0x0] =	vst.idx.add.f32.msk $0xffff, v41  }
0x116: {  	[tilespmem:v20+s18+$0x0] =	vst.idx.add.f32.msk $0xffff, v42  }
0x117: {  	[tilespmem:v1+s18+$0x0] =	vst.idx.add.f32.msk $0xffff, v24  }
0x118: {  	[tilespmem:v2+s18+$0x0] =	vst.idx.add.f32.msk $0xffff, v25  }
0x119: {  	s28 =	simm.s32 $0x0;
	s29 =	simm.s32 $0x29D0;
	[tilespmem:v3+s18+$0x0] =	vst.idx.add.f32.msk $0xffff, v26  }
.LBB2_7:
0x11a: {  	v1 =	vld [tilespmem:s29+$0xB0];
	s25 =	sadd.s32 $0x190, s25;
	s26 =	sadd.s32 $0x190, s26  }
0x11b: {  	s28 =	sadd.s32 $0x19, s28;
	s30 =	sand.u32 $0x3FF0, s25;
	v2 =	vld [tilespmem:s26+$0xB0]  }
0x11c: {  	p1 =	slt.u32 s28, $0x258;
	v3 =	vld [tilespmem:s30+$0x7800]  }
0x11d: {  	v4 =	vld [tilespmem:s30+$0x7700]  }
0x11e: {  	v5 =	vld [tilespmem:s30+$0x7780]  }
0x11f: {  	v6 =	vld [tilespmem:s30+$0x2900]  }
0x120: {  	v7 =	vld [tilespmem:s30+$0x2800]  }
0x121: {  	v8 =	vld [tilespmem:s30+$0x2880]  }
0x122: {  	v9 =	vld [tilespmem:s26+$0xFFFFFF50]  }
0x123: {  	[tilespmem:v2+s18+$0x0] =	vst.idx.add.f32.msk $0xffff, v1  }
0x124: {  	[tilespmem:v3+s18+$0x0] =	vst.idx.add.f32.msk $0xffff, v6  }
0x125: {  	[tilespmem:v4+s18+$0x0] =	vst.idx.add.f32.msk $0xffff, v7  }
0x126: {  	[tilespmem:v5+s18+$0x0] =	vst.idx.add.f32.msk $0xffff, v8  }
0x127: {  	v1 =	vld [tilespmem:s26+$0xFFFFFF60]  }
0x128: {  	v2 =	vld [tilespmem:s26+$0xFFFFFF70]  }
0x129: {  	v3 =	vld [tilespmem:s26+$0xFFFFFF80]  }
0x12a: {  	v4 =	vld [tilespmem:s26+$0xFFFFFF90]  }
0x12b: {  	v5 =	vld [tilespmem:s26+$0xFFFFFFA0]  }
0x12c: {  	v6 =	vld [tilespmem:s26+$0xFFFFFFB0]  }
0x12d: {  	v7 =	vld [tilespmem:s26+$0xFFFFFFD0]  }
0x12e: {  	v8 =	vld [tilespmem:s26+$0xFFFFFFE0]  }
0x12f: {  	v10 =	vld [tilespmem:s26+$0xFFFFFFF0]  }
0x130: {  	v11 =	vld [tilespmem:s26+$0x0]  }
0x131: {  	v12 =	vld [tilespmem:s26+$0x10]  }
0x132: {  	v13 =	vld [tilespmem:s26+$0x20]  }
0x133: {  	v14 =	vld [tilespmem:s26+$0x30]  }
0x134: {  	v15 =	vld [tilespmem:s26+$0x50]  }
0x135: {  	v16 =	vld [tilespmem:s26+$0x60]  }
0x136: {  	v17 =	vld [tilespmem:s26+$0x70]  }
0x137: {  	v18 =	vld [tilespmem:s26+$0x80]  }
0x138: {  	v19 =	vld [tilespmem:s26+$0x90]  }
0x139: {  	v20 =	vld [tilespmem:s26+$0xA0]  }
0x13a: {  	v21 =	vld [tilespmem:s26+$0xFFFFFF40]  }
0x13b: {  	v22 =	vld [tilespmem:s29+$0xFFFFFF40]  }
0x13c: {  	v23 =	vld [tilespmem:s29+$0xFFFFFF50]  }
0x13d: {  	v24 =	vld [tilespmem:s29+$0xFFFFFF60]  }
0x13e: {  	v25 =	vld [tilespmem:s29+$0xFFFFFF70]  }
0x13f: {  	v26 =	vld [tilespmem:s29+$0xFFFFFF80]  }
0x140: {  	v27 =	vld [tilespmem:s29+$0xFFFFFF90]  }
0x141: {  	v28 =	vld [tilespmem:s29+$0xFFFFFFA0]  }
0x142: {  	v29 =	vld [tilespmem:s29+$0xFFFFFFB0]  }
0x143: {  	v30 =	vld [tilespmem:s29+$0xFFFFFFD0]  }
0x144: {  	v31 =	vld [tilespmem:s29+$0xFFFFFFE0]  }
0x145: {  	v32 =	vld [tilespmem:s29+$0xFFFFFFF0]  }
0x146: {  	v33 =	vld [tilespmem:s29+$0x0]  }
0x147: {  	v34 =	vld [tilespmem:s29+$0x10]  }
0x148: {  	v35 =	vld [tilespmem:s29+$0x20]  }
0x149: {  	v36 =	vld [tilespmem:s29+$0x30]  }
0x14a: {  	v37 =	vld [tilespmem:s29+$0x50]  }
0x14b: {  	v38 =	vld [tilespmem:s29+$0x60]  }
0x14c: {  	v39 =	vld [tilespmem:s29+$0x70]  }
0x14d: {  	v40 =	vld [tilespmem:s29+$0x80]  }
0x14e: {  	v41 =	vld [tilespmem:s29+$0x90]  }
0x14f: {  	v42 =	vld [tilespmem:s29+$0xA0]  }
0x150: {  	[tilespmem:v21+s18+$0x0] =	vst.idx.add.f32.msk $0xffff, v22  }
0x151: {  	[tilespmem:v9+s18+$0x0] =	vst.idx.add.f32.msk $0xffff, v23  }
0x152: {  	[tilespmem:v1+s18+$0x0] =	vst.idx.add.f32.msk $0xffff, v24  }
0x153: {  	[tilespmem:v2+s18+$0x0] =	vst.idx.add.f32.msk $0xffff, v25  }
0x154: {  	[tilespmem:v3+s18+$0x0] =	vst.idx.add.f32.msk $0xffff, v26  }
0x155: {  	[tilespmem:v4+s18+$0x0] =	vst.idx.add.f32.msk $0xffff, v27  }
0x156: {  	[tilespmem:v5+s18+$0x0] =	vst.idx.add.f32.msk $0xffff, v28  }
0x157: {  	[tilespmem:v6+s18+$0x0] =	vst.idx.add.f32.msk $0xffff, v29  }
0x158: {  	[tilespmem:v7+s18+$0x0] =	vst.idx.add.f32.msk $0xffff, v30  }
0x159: {  	[tilespmem:v8+s18+$0x0] =	vst.idx.add.f32.msk $0xffff, v31  }
0x15a: {  	[tilespmem:v10+s18+$0x0] =	vst.idx.add.f32.msk $0xffff, v32  }
0x15b: {  	[tilespmem:v11+s18+$0x0] =	vst.idx.add.f32.msk $0xffff, v33  }
0x15c: {  	[tilespmem:v12+s18+$0x0] =	vst.idx.add.f32.msk $0xffff, v34  }
0x15d: {  	[tilespmem:v13+s18+$0x0] =	vst.idx.add.f32.msk $0xffff, v35  }
0x15e: {  	[tilespmem:v14+s18+$0x0] =	vst.idx.add.f32.msk $0xffff, v36  }
0x15f: {  	[tilespmem:v15+s18+$0x0] =	vst.idx.add.f32.msk $0xffff, v37  }
.Ltmp4:
0x160: {  	[tilespmem:v16+s18+$0x0] =	vst.idx.add.f32.msk $0xffff, v38;
	(pc) =	sbr.rel @p1 .LBB2_7-.Ltmp4, $4  }
0x161: {  	[tilespmem:v17+s18+$0x0] =	vst.idx.add.f32.msk $0xffff, v39  }
0x162: {  	[tilespmem:v18+s18+$0x0] =	vst.idx.add.f32.msk $0xffff, v40  }
0x163: {  	[tilespmem:v19+s18+$0x0] =	vst.idx.add.f32.msk $0xffff, v41  }
0x164: {  	s29 =	sadd.s32 $0x190, s29;
	[tilespmem:v20+s18+$0x0] =	vst.idx.add.f32.msk $0xffff, v42  }
.Ltmp5:
0x165: {  	(pc) =	sbr.rel @p0 .LBB2_10-.Ltmp5, $1  }
0x166: {  	_ =	sdelay $0x3  }
0x167: {  	s25 =	smul.u32 $0x4E20, s24;
	_ =	sdelay $0x1  }
0x168: {  	s25 =	sadd.s32 $0x7530, s25  }
0x169: {  	s26 =	sadd.s32 s6, s25  }
.Ltmp6:
0x16a: {  	s25 =	sadd.s32 s5, s25;
	s26 =	sshrl.u32 s26, $0x3;
	(pc) =	sbr.rel .LBB2_4-.Ltmp6, $4  }
0x16b: {  	s25 =	sshrl.u32 s25, $0x3;
	s26 =	sadd.s32 s1, s26  }
0x16c: {  	[tilespmem:s14], [sflag:$0x2] =	stream.linear.gather [hbm4b:s26+s4], $0x2710, $0x38;
	[tilespmem:$0xC580] =	vst v63  }
0x16d: {  	s24 =	sadd.s32 $0x1, s24;
	s25 =	sadd.s32 s3, s25  }
0x16e: {  	[tilespmem:s15], [sflag:$0x4] =	stream.linear.gather [hbm4b:s25+s4], $0x2710, $0x38;
	[tilespmem:$0xC580] =	vst v63  }
.LBB2_11:
0x16f: {  	_ =	sfence.sel $0x180000  }
0x170: {  	[bflag:$0x0] =	sbarrier.arrive $0xFFFF  }
0x171: {  	p0 =	sne.s32 s2, $0x0;
	_ =	strace $0x90000047  }
0x172: {  	s0 =	sadd.s32 @!p0 $0x100000, s0;
	[bflag:$0x2] =	sbarrier.arrive $0xFFFF  }
0x173: {  	[sflag:s0] =	ssyncadd.tile.s32 @!p0 $0x1;
	_ =	shalt  }
.Lfunc_end2:
_tile_overlayer_lowered:
.L_overlay_start_2:
0x174: {  	(tag) =	ssettag $0x2  }
0x175: {  	s0 =	rddreg [dreg:$0x0];
	s2 =	stileid.u32  }
0x176: {  	s1 =	rddreg [dreg:$0x1];
	p0 =	sne.s32 s2, $0x0  }
0x177: {  	s3 =	rddreg [dreg:$0x2];
	[bflag:$0x3] =	sbarrier.arrive $0xFFFF;
	s2 =	simm.s32 @!p0 $0x1C05  }
0x178: {  	[timem:s3], [sflag:s2] =	dma.local @!p0 [hbm:s0], s1  }
0x179: {  	s0 =	simm.s32 @!p0 $0x5  }
0x17a: {  	_ =	swait.ge @!p0 [sflag:s0], s1  }
0x17b: {  	s1 =	ssub.s32 @!p0 $0x0, s1;
	[sflag:s0] =	ssyncset.done @!p0 $0x0  }
0x17c: {  	[sflag:s0] =	ssyncadd.s32 @!p0 s1  }
0x17d: {  	[bflag:$0x3] =	sbarrier.arrive $0xFFFF  }
0x17e: {  	_ =	shalt  }

</sc_bundles>
